<compile_context>
chip_gen: v7x
topology: tpu7x:2x2x1
jax: 0.10.2.dev20260603
libtpu: 0.0.44.dev20260713+nightly
codegen_flags: <defaults>
</compile_context>

<pallas_src>
import math

import jax
import jax.numpy as jnp
import numpy as np
from jax import lax
from jax.experimental import pallas as pl
from jax.experimental.pallas import tpu as pltpu
from jax.experimental.pallas import tpu_sc as plsc

VOCAB = 100000
EMBED = 64
OUT_DIM = 128
B = 4096
L = 200
MAX_LEN = 200

NUM_CORES = 2
NUM_SUBCORES = 16
NW = NUM_CORES * NUM_SUBCORES
B_PER_W = B // NW
G0, G1 = 128, 72
LPAD = 256
CHUNK = B_PER_W * LPAD


def _positional_table():
    position = np.arange(MAX_LEN, dtype=np.float32)[:, None]
    div_term = np.exp(
        np.arange(0, EMBED, 2, dtype=np.float32) * (-math.log(10000.0) / EMBED))
    pe = np.zeros((MAX_LEN, EMBED), dtype=np.float32)
    pe[:, 0::2] = np.sin(position * div_term)
    pe[:, 1::2] = np.cos(position * div_term)
    return pe


_PE = _positional_table()


def _sc_gather_sum(emb_table, idx_pad_flat):
    mesh = plsc.VectorSubcoreMesh(core_axis_name="c", subcore_axis_name="s")

    def body(table_hbm, idx_hbm, out_hbm, idx_v, rows_v, out_v, sem0, sem1):
        wid = lax.axis_index("s") * NUM_CORES + lax.axis_index("c")
        pltpu.sync_copy(idx_hbm.at[pl.ds(wid * CHUNK, CHUNK)], idx_v)

        def gather(slot, r, sem):
            base = r * LPAD
            pltpu.make_async_copy(
                table_hbm.at[idx_v.at[pl.ds(base, G0)]],
                rows_v.at[slot, pl.ds(0, G0)], sem).start()
            pltpu.make_async_copy(
                table_hbm.at[idx_v.at[pl.ds(base + G0, G1)]],
                rows_v.at[slot, pl.ds(G0, G1)], sem).start()

        def drain(slot, sem):
            pltpu.make_async_copy(
                table_hbm.at[idx_v.at[pl.ds(0, G0)]],
                rows_v.at[slot, pl.ds(0, G0)], sem).wait()
            pltpu.make_async_copy(
                table_hbm.at[idx_v.at[pl.ds(0, G1)]],
                rows_v.at[slot, pl.ds(G0, G1)], sem).wait()

        def reduce_into(slot, r):
            def red(l, accs):
                b0, b1, b2, b3, c0, c1, c2, c3 = accs
                row = 4 * l
                b0 = b0 + rows_v[slot, row, pl.ds(0, 16)]
                b1 = b1 + rows_v[slot, row, pl.ds(16, 16)]
                b2 = b2 + rows_v[slot, row, pl.ds(32, 16)]
                b3 = b3 + rows_v[slot, row, pl.ds(48, 16)]
                c0 = c0 + rows_v[slot, row + 1, pl.ds(0, 16)]
                c1 = c1 + rows_v[slot, row + 1, pl.ds(16, 16)]
                c2 = c2 + rows_v[slot, row + 1, pl.ds(32, 16)]
                c3 = c3 + rows_v[slot, row + 1, pl.ds(48, 16)]
                b0 = b0 + rows_v[slot, row + 2, pl.ds(0, 16)]
                b1 = b1 + rows_v[slot, row + 2, pl.ds(16, 16)]
                b2 = b2 + rows_v[slot, row + 2, pl.ds(32, 16)]
                b3 = b3 + rows_v[slot, row + 2, pl.ds(48, 16)]
                c0 = c0 + rows_v[slot, row + 3, pl.ds(0, 16)]
                c1 = c1 + rows_v[slot, row + 3, pl.ds(16, 16)]
                c2 = c2 + rows_v[slot, row + 3, pl.ds(32, 16)]
                c3 = c3 + rows_v[slot, row + 3, pl.ds(48, 16)]
                return (b0, b1, b2, b3, c0, c1, c2, c3)

            z = jnp.zeros((16,), jnp.float32)
            accs = lax.fori_loop(0, L // 4, red, (z,) * 8)
            out_v[r, pl.ds(0, 16)] = accs[0] + accs[4]
            out_v[r, pl.ds(16, 16)] = accs[1] + accs[5]
            out_v[r, pl.ds(32, 16)] = accs[2] + accs[6]
            out_v[r, pl.ds(48, 16)] = accs[3] + accs[7]

        gather(0, 0, sem0)

        def pair_body(i, carry):
            r0 = 2 * i
            gather(1, r0 + 1, sem1)
            drain(0, sem0)
            reduce_into(0, r0)

            @pl.when(r0 + 2 < B_PER_W)
            def _():
                gather(0, r0 + 2, sem0)

            drain(1, sem1)
            reduce_into(1, r0 + 1)
            return carry

        lax.fori_loop(0, B_PER_W // 2, pair_body, 0)
        pltpu.sync_copy(out_v, out_hbm.at[pl.ds(wid * B_PER_W, B_PER_W)])

    call = pl.kernel(
        body,
        out_type=jax.ShapeDtypeStruct((B, EMBED), jnp.float32),
        mesh=mesh,
        compiler_params=pltpu.CompilerParams(use_tc_tiling_on_sc=False),
        scratch_types=[
            pltpu.VMEM((CHUNK,), jnp.int32),
            pltpu.VMEM((2, L, EMBED), jnp.float32),
            pltpu.VMEM((B_PER_W, EMBED), jnp.float32),
            pltpu.SemaphoreType.DMA,
            pltpu.SemaphoreType.DMA,
        ],
    )
    return call(emb_table, idx_pad_flat)


TROWS = 16384
TGRID = -(-VOCAB // TROWS)


VOCAB_PAD = TGRID * TROWS


def _table_lin_body(tt_ref, out_ref):
    t = tt_ref[...]
    a = t[:, : TROWS // 2].T
    b = t[:, TROWS // 2 :].T
    out_ref[...] = jnp.concatenate([a, b], axis=1)


def _table_linear(emb_table):
    tt = emb_table.T
    out = pl.pallas_call(
        _table_lin_body,
        grid=(TGRID,),
        in_specs=[pl.BlockSpec((EMBED, TROWS), lambda i: (0, i))],
        out_specs=pl.BlockSpec((TROWS // 2, 2 * EMBED), lambda i: (i, 0)),
        out_shape=jax.ShapeDtypeStruct((VOCAB_PAD // 2, 2 * EMBED), jnp.float32),
    )(tt)
    return out.reshape(VOCAB_PAD, EMBED)


def _tc_mask_body(idx_ref, pe_ref, pe_sum_ref, cnt_ref, neos_ref):
    idx = idx_ref[...]
    m = jnp.logical_and(idx != 0, idx != 1).astype(jnp.float32)
    neos_ref[...] = jnp.sum((idx == 1).astype(jnp.float32), axis=1,
                            keepdims=True)
    cnt_ref[...] = jnp.sum(m, axis=1, keepdims=True)
    pe_sum_ref[...] = jnp.dot(m, pe_ref[...],
                              preferred_element_type=jnp.float32)


def _tc_mask(idx):
    return pl.pallas_call(
        _tc_mask_body,
        out_shape=(
            jax.ShapeDtypeStruct((B, EMBED), jnp.float32),
            jax.ShapeDtypeStruct((B, 1), jnp.float32),
            jax.ShapeDtypeStruct((B, 1), jnp.float32),
        ),
    )(idx, jnp.asarray(_PE))


def _tc_head_body(sums_ref, pe_sum_ref, cnt_ref, neos_ref, wt_ref, b_ref,
                  e1_ref, out_ref):
    s_masked = sums_ref[...] - neos_ref[...] * e1_ref[...]
    pooled = (8.0 * s_masked + pe_sum_ref[...]) / (cnt_ref[...] + 1e-6)
    out_ref[...] = (
        jnp.dot(pooled, wt_ref[...], preferred_element_type=jnp.float32)
        + b_ref[...])


def _tc_combine(idx, sums, wt, bvec, e1):
    pe_sum, cnt, neos = _tc_mask(idx)
    return pl.pallas_call(
        _tc_head_body,
        out_shape=jax.ShapeDtypeStruct((B, OUT_DIM), jnp.float32),
    )(sums, pe_sum, cnt, neos, wt, bvec, e1)


def kernel(src_tok_idxs, emb_table, W, b):
    idx = src_tok_idxs.astype(jnp.int32)
    table_lin = _table_linear(emb_table)
    idx_g = ((idx & ~(TROWS - 1)) | ((idx & (TROWS // 2 - 1)) << 1)
             | ((idx >> 13) & 1))
    idx_pad_flat = jnp.pad(idx_g, ((0, 0), (0, LPAD - L))).reshape(-1)
    sums = _sc_gather_sum(table_lin, idx_pad_flat)
    return _tc_combine(idx, sums, W.T, b.reshape(1, OUT_DIM),
                       emb_table[1:2])

# --- scband reference (transcript-rebuilt; emitter-appended) ---
"""Pipeline reference for scband-linear-encoder-6820408066388 (READ-ONLY COPY).

The authoritative reference and input builder live on the scoring server;
editing this copy changes nothing except your own understanding.
"""

import jax, jax.numpy as jnp
import numpy as np
import math

VOCAB = 100000
EMBED = 64
OUT_DIM = 128
MAX_LEN = 200
B = 4096
L = 200
PAD_IDX = 0
EOS_IDX = 1


def _positional_encoding(max_len, d):
    position = np.arange(max_len, dtype=np.float32)[:, None]
    div_term = np.exp(np.arange(0, d, 2, dtype=np.float32) * (-math.log(10000.0) / d))
    pe = np.zeros((max_len, d), dtype=np.float32)
    pe[:, 0::2] = np.sin(position * div_term)
    pe[:, 1::2] = np.cos(position * div_term)
    return jnp.asarray(pe)


def setup_inputs(seed: int = 0) -> dict:
    key = jax.random.key(seed)
    k1, k2, k3, k4 = jax.random.split(key, 4)
    src_tok_idxs = jax.random.randint(k1, (B, L), 0, VOCAB, dtype=jnp.int64 if jax.config.jax_enable_x64 else jnp.int32)
    emb_table = jax.random.normal(k2, (VOCAB, EMBED), dtype=jnp.float32)
    emb_table = emb_table.at[PAD_IDX].set(0.0)  # padding_idx row is zero in nn.Embedding
    W = jax.random.normal(k3, (OUT_DIM, EMBED), dtype=jnp.float32) * (1.0 / math.sqrt(EMBED))
    b = jax.random.normal(k4, (OUT_DIM,), dtype=jnp.float32) * 0.01
    return {"src_tok_idxs": src_tok_idxs, "emb_table": emb_table, "W": W, "b": b}


def reference(src_tok_idxs, emb_table, W, b):
    # truncation branch from forward()
    if src_tok_idxs.shape[1] > MAX_LEN:
        src_tok_idxs = src_tok_idxs[:, :MAX_LEN + 1]
    seq_len = src_tok_idxs.shape[1]
    src_mask = (src_tok_idxs != PAD_IDX).astype(jnp.float32)
    # embedding lookup (SparseCore gather)
    src_tok_features = jnp.take(emb_table, src_tok_idxs, axis=0)
    # scale + positional encoding (dropout=0.0)
    pe = _positional_encoding(MAX_LEN, EMBED)
    src_tok_features = src_tok_features * math.sqrt(EMBED) + pe[None, :seq_len, :]
    # masked mean pooling excluding padding and eos tokens
    pooling_mask = src_mask * (src_tok_idxs != EOS_IDX).astype(jnp.float32)
    pooling_mask = pooling_mask[..., None]
    pooled_features = (pooling_mask * src_tok_features).sum(-2) / (pooling_mask.sum(-2) + 1e-06)
    # proj_head linear
    return pooled_features @ W.T + b

if __name__ == "__main__":
    import jax
    _d = setup_inputs()
    print(jax.jit(kernel)(*tuple(_d.values())))

</pallas_src>

<mosaic_0001>
#map = affine_map<(d0, d1) -> (0, 0)>
#map1 = affine_map<(d0, d1) -> (0)>
module attributes {stable_mosaic.version = 14 : i64} {
  func.func @body(%arg0: i32, %arg1: i32, %arg2: memref<114688x64xf32, #tpu.memory_space<hbm>>, %arg3: memref<1048576xi32, #tpu.memory_space<hbm>>, %arg4: memref<4096x64xf32, #tpu.memory_space<hbm>>, %arg5: memref<32768xi32, #tpu.memory_space<vmem>>, %arg6: memref<2x200x64xf32, #tpu.memory_space<vmem>>, %arg7: memref<128x64xf32, #tpu.memory_space<vmem>>, %arg8: memref<!tpu.dma_semaphore, #tpu.memory_space<semaphore_mem>>, %arg9: memref<!tpu.dma_semaphore, #tpu.memory_space<semaphore_mem>>) attributes {dimension_semantics = [#tpu.dimension_semantics<core_parallel>, #tpu.dimension_semantics<subcore_parallel>], iteration_bounds = array<i64: 2, 16>, scalar_prefetch = 0 : i64, scratch_operands = 5 : i64, tpu.core_type = #tpu.core_type<sc_vector_subcore>, window_params = [{transform_indices = #map}, {transform_indices = #map1}, {transform_indices = #map}]} {
    %mul3A = arith.constant 2 : i32
    %mul3A_0 = arith.muli %arg1, %mul3A : i32
    %add3A = arith.addi %mul3A_0, %arg0 : i32
    %mul3A_1 = arith.constant 32768 : i32
    %mul3A_2 = arith.muli %add3A, %mul3A_1 : i32
    "tpu.region"() ({
      %run_scoped3A = tpu.sem_alloc : memref<!tpu.dma_semaphore, #tpu.memory_space<semaphore_mem>>
      %dma_start3A_29 = tpu.memref_slice %arg3[%mul3A_2] : memref<1048576xi32, #tpu.memory_space<hbm>> -> memref<32768xi32, #tpu.memory_space<hbm>>
      %dma_start3A_30 = tpu.memref_slice %arg3[%mul3A_2] : memref<1048576xi32, #tpu.memory_space<hbm>> -> memref<32768xi32, #tpu.memory_space<hbm>>
      tpu.enqueue_dma source(%dma_start3A_30 : memref<32768xi32, #tpu.memory_space<hbm>>) target(%arg5 : memref<32768xi32, #tpu.memory_space<vmem>>) target_semaphore(%run_scoped3A : memref<!tpu.dma_semaphore, #tpu.memory_space<semaphore_mem>>)
      %dma_wait3A = tpu.memref_slice %arg3[%mul3A_2] : memref<1048576xi32, #tpu.memory_space<hbm>> -> memref<32768xi32, #tpu.memory_space<hbm>>
      %dma_wait3A_31 = tpu.memref_slice %arg3[%mul3A_2] : memref<1048576xi32, #tpu.memory_space<hbm>> -> memref<32768xi32, #tpu.memory_space<hbm>>
      tpu.wait_dma2 semaphore(%run_scoped3A : memref<!tpu.dma_semaphore, #tpu.memory_space<semaphore_mem>>) src(%dma_wait3A_31 : memref<32768xi32, #tpu.memory_space<hbm>>) dst(%arg5 : memref<32768xi32, #tpu.memory_space<vmem>>)
      tpu.yield
    }) : () -> ()
    %dma_start3A = arith.constant 0 : i32
    %dma_start3A_3 = arith.constant 0 : i32
    %dma_start3A_4 = arith.constant 0 : i32
    %dma_start3A_5 = tpu.memref_slice %arg6[%dma_start3A, %dma_start3A_3, %dma_start3A_4] : memref<2x200x64xf32, #tpu.memory_space<vmem>> -> memref<1x128x64xf32, #tpu.memory_space<vmem>>
    %dma_start3A_6 = tpu.memref_squeeze %dma_start3A_5 : memref<1x128x64xf32, #tpu.memory_space<vmem>> -> memref<128x64xf32, #tpu.memory_space<vmem>>
    %dma_start3A_7 = arith.constant 0 : i32
    %dma_start3A_8 = tpu.memref_slice %arg5[%dma_start3A_7] : memref<32768xi32, #tpu.memory_space<vmem>> -> memref<128xi32, #tpu.memory_space<vmem>>
    %dma_start3A_9 = arith.constant 0 : i32
    %dma_start3A_10 = arith.constant 0 : i32
    %dma_start3A_11 = tpu.memref_slice %arg2[%dma_start3A_9, %dma_start3A_10] : memref<114688x64xf32, #tpu.memory_space<hbm>> -> memref<114688x64xf32, #tpu.memory_space<hbm>>
    tpu.enqueue_indirect_dma source(%dma_start3A_11 : memref<114688x64xf32, #tpu.memory_space<hbm>>) target(%dma_start3A_6 : memref<128x64xf32, #tpu.memory_space<vmem>>) offsets(%dma_start3A_8 : memref<128xi32, #tpu.memory_space<vmem>>) semaphore(%arg8 : memref<!tpu.dma_semaphore, #tpu.memory_space<semaphore_mem>>)
    %dma_start3A_12 = arith.constant 0 : i32
    %dma_start3A_13 = arith.constant 128 : i32
    %dma_start3A_14 = arith.constant 0 : i32
    %dma_start3A_15 = tpu.memref_slice %arg6[%dma_start3A_12, %dma_start3A_13, %dma_start3A_14] : memref<2x200x64xf32, #tpu.memory_space<vmem>> -> memref<1x72x64xf32, #tpu.memory_space<vmem>>
    %dma_start3A_16 = tpu.memref_squeeze %dma_start3A_15 : memref<1x72x64xf32, #tpu.memory_space<vmem>> -> memref<72x64xf32, #tpu.memory_space<vmem>>
    %dma_start3A_17 = arith.constant 128 : i32
    %dma_start3A_18 = tpu.memref_slice %arg5[%dma_start3A_17] : memref<32768xi32, #tpu.memory_space<vmem>> -> memref<72xi32, #tpu.memory_space<vmem>>
    %dma_start3A_19 = arith.constant 0 : i32
    %dma_start3A_20 = arith.constant 0 : i32
    %dma_start3A_21 = tpu.memref_slice %arg2[%dma_start3A_19, %dma_start3A_20] : memref<114688x64xf32, #tpu.memory_space<hbm>> -> memref<114688x64xf32, #tpu.memory_space<hbm>>
    tpu.enqueue_indirect_dma source(%dma_start3A_21 : memref<114688x64xf32, #tpu.memory_space<hbm>>) target(%dma_start3A_16 : memref<72x64xf32, #tpu.memory_space<vmem>>) offsets(%dma_start3A_18 : memref<72xi32, #tpu.memory_space<vmem>>) semaphore(%arg8 : memref<!tpu.dma_semaphore, #tpu.memory_space<semaphore_mem>>)
    %scan3A = arith.constant 0 : i32
    %scan3A_22 = arith.constant 0 : i32
    %scan3A_23 = arith.constant 64 : i32
    %scan3A_24 = arith.addi %scan3A_22, %scan3A_23 : i32
    %scan3A_25 = arith.constant 1 : i32
    scf.for %scan3A_29 = %scan3A_22 to %scan3A_24 step %scan3A_25  : i32 {
      %mul3A_30 = arith.constant 2 : i32
      %mul3A_31 = arith.muli %mul3A_30, %scan3A_29 : i32
      %add3A_32 = arith.constant 1 : i32
      %add3A_33 = arith.addi %mul3A_31, %add3A_32 : i32
      %mul3A_34 = arith.constant 256 : i32
      %mul3A_35 = arith.muli %add3A_33, %mul3A_34 : i32
      %dma_start3A_36 = arith.constant 1 : i32
      %dma_start3A_37 = arith.constant 0 : i32
      %dma_start3A_38 = arith.constant 0 : i32
      %dma_start3A_39 = tpu.memref_slice %arg6[%dma_start3A_36, %dma_start3A_37, %dma_start3A_38] : memref<2x200x64xf32, #tpu.memory_space<vmem>> -> memref<1x128x64xf32, #tpu.memory_space<vmem>>
      %dma_start3A_40 = tpu.memref_squeeze %dma_start3A_39 : memref<1x128x64xf32, #tpu.memory_space<vmem>> -> memref<128x64xf32, #tpu.memory_space<vmem>>
      %dma_start3A_41 = tpu.memref_slice %arg5[%mul3A_35] : memref<32768xi32, #tpu.memory_space<vmem>> -> memref<128xi32, #tpu.memory_space<vmem>>
      %dma_start3A_42 = arith.constant 0 : i32
      %dma_start3A_43 = arith.constant 0 : i32
      %dma_start3A_44 = tpu.memref_slice %arg2[%dma_start3A_42, %dma_start3A_43] : memref<114688x64xf32, #tpu.memory_space<hbm>> -> memref<114688x64xf32, #tpu.memory_space<hbm>>
      tpu.enqueue_indirect_dma source(%dma_start3A_44 : memref<114688x64xf32, #tpu.memory_space<hbm>>) target(%dma_start3A_40 : memref<128x64xf32, #tpu.memory_space<vmem>>) offsets(%dma_start3A_41 : memref<128xi32, #tpu.memory_space<vmem>>) semaphore(%arg9 : memref<!tpu.dma_semaphore, #tpu.memory_space<semaphore_mem>>)
      %add3A_45 = arith.constant 128 : i32
      %add3A_46 = arith.addi %mul3A_35, %add3A_45 : i32
      %dma_start3A_47 = arith.constant 1 : i32
      %dma_start3A_48 = arith.constant 128 : i32
      %dma_start3A_49 = arith.constant 0 : i32
      %dma_start3A_50 = tpu.memref_slice %arg6[%dma_start3A_47, %dma_start3A_48, %dma_start3A_49] : memref<2x200x64xf32, #tpu.memory_space<vmem>> -> memref<1x72x64xf32, #tpu.memory_space<vmem>>
      %dma_start3A_51 = tpu.memref_squeeze %dma_start3A_50 : memref<1x72x64xf32, #tpu.memory_space<vmem>> -> memref<72x64xf32, #tpu.memory_space<vmem>>
      %dma_start3A_52 = tpu.memref_slice %arg5[%add3A_46] : memref<32768xi32, #tpu.memory_space<vmem>> -> memref<72xi32, #tpu.memory_space<vmem>>
      %dma_start3A_53 = arith.constant 0 : i32
      %dma_start3A_54 = arith.constant 0 : i32
      %dma_start3A_55 = tpu.memref_slice %arg2[%dma_start3A_53, %dma_start3A_54] : memref<114688x64xf32, #tpu.memory_space<hbm>> -> memref<114688x64xf32, #tpu.memory_space<hbm>>
      tpu.enqueue_indirect_dma source(%dma_start3A_55 : memref<114688x64xf32, #tpu.memory_space<hbm>>) target(%dma_start3A_51 : memref<72x64xf32, #tpu.memory_space<vmem>>) offsets(%dma_start3A_52 : memref<72xi32, #tpu.memory_space<vmem>>) semaphore(%arg9 : memref<!tpu.dma_semaphore, #tpu.memory_space<semaphore_mem>>)
      %dma_wait3A = arith.constant 0 : i32
      %dma_wait3A_56 = arith.constant 0 : i32
      %dma_wait3A_57 = arith.constant 0 : i32
      %dma_wait3A_58 = tpu.memref_slice %arg6[%dma_wait3A, %dma_wait3A_56, %dma_wait3A_57] : memref<2x200x64xf32, #tpu.memory_space<vmem>> -> memref<1x128x64xf32, #tpu.memory_space<vmem>>
      %dma_wait3A_59 = tpu.memref_squeeze %dma_wait3A_58 : memref<1x128x64xf32, #tpu.memory_space<vmem>> -> memref<128x64xf32, #tpu.memory_space<vmem>>
      %dma_wait3A_60 = arith.constant 0 : i32
      %dma_wait3A_61 = tpu.memref_slice %arg5[%dma_wait3A_60] : memref<32768xi32, #tpu.memory_space<vmem>> -> memref<128xi32, #tpu.memory_space<vmem>>
      %dma_wait3A_62 = arith.constant 0 : i32
      %dma_wait3A_63 = arith.constant 0 : i32
      %dma_wait3A_64 = tpu.memref_slice %arg2[%dma_wait3A_62, %dma_wait3A_63] : memref<114688x64xf32, #tpu.memory_space<hbm>> -> memref<114688x64xf32, #tpu.memory_space<hbm>>
      tpu.wait_indirect_dma semaphore(%arg8 : memref<!tpu.dma_semaphore, #tpu.memory_space<semaphore_mem>>) src(%dma_wait3A_64 : memref<114688x64xf32, #tpu.memory_space<hbm>>) dst(%dma_wait3A_59 : memref<128x64xf32, #tpu.memory_space<vmem>>)
      %dma_wait3A_65 = arith.constant 0 : i32
      %dma_wait3A_66 = arith.constant 128 : i32
      %dma_wait3A_67 = arith.constant 0 : i32
      %dma_wait3A_68 = tpu.memref_slice %arg6[%dma_wait3A_65, %dma_wait3A_66, %dma_wait3A_67] : memref<2x200x64xf32, #tpu.memory_space<vmem>> -> memref<1x72x64xf32, #tpu.memory_space<vmem>>
      %dma_wait3A_69 = tpu.memref_squeeze %dma_wait3A_68 : memref<1x72x64xf32, #tpu.memory_space<vmem>> -> memref<72x64xf32, #tpu.memory_space<vmem>>
      %dma_wait3A_70 = arith.constant 0 : i32
      %dma_wait3A_71 = tpu.memref_slice %arg5[%dma_wait3A_70] : memref<32768xi32, #tpu.memory_space<vmem>> -> memref<72xi32, #tpu.memory_space<vmem>>
      %dma_wait3A_72 = arith.constant 0 : i32
      %dma_wait3A_73 = arith.constant 0 : i32
      %dma_wait3A_74 = tpu.memref_slice %arg2[%dma_wait3A_72, %dma_wait3A_73] : memref<114688x64xf32, #tpu.memory_space<hbm>> -> memref<114688x64xf32, #tpu.memory_space<hbm>>
      tpu.wait_indirect_dma semaphore(%arg8 : memref<!tpu.dma_semaphore, #tpu.memory_space<semaphore_mem>>) src(%dma_wait3A_74 : memref<114688x64xf32, #tpu.memory_space<hbm>>) dst(%dma_wait3A_69 : memref<72x64xf32, #tpu.memory_space<vmem>>)
      %broadcast_in_dim3A = arith.constant 0.000000e+00 : f32
      %broadcast_in_dim3A_75 = vector.broadcast %broadcast_in_dim3A : f32 to vector<16xf32>
      %scan3A_76 = arith.constant 0 : i32
      %scan3A_77 = arith.constant 50 : i32
      %scan3A_78 = arith.addi %scan3A_76, %scan3A_77 : i32
      %scan3A_79 = arith.constant 1 : i32
      %scan3A_80:8 = scf.for %scan3A_163 = %scan3A_76 to %scan3A_78 step %scan3A_79 iter_args(%scan3A_164 = %broadcast_in_dim3A_75, %scan3A_165 = %broadcast_in_dim3A_75, %scan3A_166 = %broadcast_in_dim3A_75, %scan3A_167 = %broadcast_in_dim3A_75, %scan3A_168 = %broadcast_in_dim3A_75, %scan3A_169 = %broadcast_in_dim3A_75, %scan3A_170 = %broadcast_in_dim3A_75, %scan3A_171 = %broadcast_in_dim3A_75) -> (vector<16xf32>, vector<16xf32>, vector<16xf32>, vector<16xf32>, vector<16xf32>, vector<16xf32>, vector<16xf32>, vector<16xf32>)  : i32 {
        %mul3A_172 = arith.constant 4 : i32
        %mul3A_173 = arith.muli %mul3A_172, %scan3A_163 : i32
        %get3A = arith.constant 0 : i32
        %get3A_174 = arith.index_cast %get3A : i32 to index
        %get3A_175 = arith.index_cast %mul3A_173 : i32 to index
        %get3A_176 = arith.constant 0 : index
        %get3A_177 = tpu.vector_load %arg6[%get3A_174, %get3A_175, %get3A_176] {strides = array<i32>} : memref<2x200x64xf32, #tpu.memory_space<vmem>>, vector<1x1x16xf32>,
        %get3A_178 = vector.shape_cast %get3A_177 : vector<1x1x16xf32> to vector<16xf32>
        %add3A_179 = arith.addf %scan3A_164, %get3A_178 : vector<16xf32>
        %get3A_180 = arith.constant 0 : i32
        %get3A_181 = arith.index_cast %get3A_180 : i32 to index
        %get3A_182 = arith.index_cast %mul3A_173 : i32 to index
        %get3A_183 = arith.constant 16 : index
        %get3A_184 = tpu.vector_load %arg6[%get3A_181, %get3A_182, %get3A_183] {strides = array<i32>} : memref<2x200x64xf32, #tpu.memory_space<vmem>>, vector<1x1x16xf32>,
        %get3A_185 = vector.shape_cast %get3A_184 : vector<1x1x16xf32> to vector<16xf32>
        %add3A_186 = arith.addf %scan3A_165, %get3A_185 : vector<16xf32>
        %get3A_187 = arith.constant 0 : i32
        %get3A_188 = arith.index_cast %get3A_187 : i32 to index
        %get3A_189 = arith.index_cast %mul3A_173 : i32 to index
        %get3A_190 = arith.constant 32 : index
        %get3A_191 = tpu.vector_load %arg6[%get3A_188, %get3A_189, %get3A_190] {strides = array<i32>} : memref<2x200x64xf32, #tpu.memory_space<vmem>>, vector<1x1x16xf32>,
        %get3A_192 = vector.shape_cast %get3A_191 : vector<1x1x16xf32> to vector<16xf32>
        %add3A_193 = arith.addf %scan3A_166, %get3A_192 : vector<16xf32>
        %get3A_194 = arith.constant 0 : i32
        %get3A_195 = arith.index_cast %get3A_194 : i32 to index
        %get3A_196 = arith.index_cast %mul3A_173 : i32 to index
        %get3A_197 = arith.constant 48 : index
        %get3A_198 = tpu.vector_load %arg6[%get3A_195, %get3A_196, %get3A_197] {strides = array<i32>} : memref<2x200x64xf32, #tpu.memory_space<vmem>>, vector<1x1x16xf32>,
        %get3A_199 = vector.shape_cast %get3A_198 : vector<1x1x16xf32> to vector<16xf32>
        %add3A_200 = arith.addf %scan3A_167, %get3A_199 : vector<16xf32>
        %add3A_201 = arith.constant 1 : i32
        %add3A_202 = arith.addi %mul3A_173, %add3A_201 : i32
        %get3A_203 = arith.constant 0 : i32
        %get3A_204 = arith.index_cast %get3A_203 : i32 to index
        %get3A_205 = arith.index_cast %add3A_202 : i32 to index
        %get3A_206 = arith.constant 0 : index
        %get3A_207 = tpu.vector_load %arg6[%get3A_204, %get3A_205, %get3A_206] {strides = array<i32>} : memref<2x200x64xf32, #tpu.memory_space<vmem>>, vector<1x1x16xf32>,
        %get3A_208 = vector.shape_cast %get3A_207 : vector<1x1x16xf32> to vector<16xf32>
        %add3A_209 = arith.addf %scan3A_168, %get3A_208 : vector<16xf32>
        %add3A_210 = arith.constant 1 : i32
        %add3A_211 = arith.addi %mul3A_173, %add3A_210 : i32
        %get3A_212 = arith.constant 0 : i32
        %get3A_213 = arith.index_cast %get3A_212 : i32 to index
        %get3A_214 = arith.index_cast %add3A_211 : i32 to index
        %get3A_215 = arith.constant 16 : index
        %get3A_216 = tpu.vector_load %arg6[%get3A_213, %get3A_214, %get3A_215] {strides = array<i32>} : memref<2x200x64xf32, #tpu.memory_space<vmem>>, vector<1x1x16xf32>,
        %get3A_217 = vector.shape_cast %get3A_216 : vector<1x1x16xf32> to vector<16xf32>
        %add3A_218 = arith.addf %scan3A_169, %get3A_217 : vector<16xf32>
        %add3A_219 = arith.constant 1 : i32
        %add3A_220 = arith.addi %mul3A_173, %add3A_219 : i32
        %get3A_221 = arith.constant 0 : i32
        %get3A_222 = arith.index_cast %get3A_221 : i32 to index
        %get3A_223 = arith.index_cast %add3A_220 : i32 to index
        %get3A_224 = arith.constant 32 : index
        %get3A_225 = tpu.vector_load %arg6[%get3A_222, %get3A_223, %get3A_224] {strides = array<i32>} : memref<2x200x64xf32, #tpu.memory_space<vmem>>, vector<1x1x16xf32>,
        %get3A_226 = vector.shape_cast %get3A_225 : vector<1x1x16xf32> to vector<16xf32>
        %add3A_227 = arith.addf %scan3A_170, %get3A_226 : vector<16xf32>
        %add3A_228 = arith.constant 1 : i32
        %add3A_229 = arith.addi %mul3A_173, %add3A_228 : i32
        %get3A_230 = arith.constant 0 : i32
        %get3A_231 = arith.index_cast %get3A_230 : i32 to index
        %get3A_232 = arith.index_cast %add3A_229 : i32 to index
        %get3A_233 = arith.constant 48 : index
        %get3A_234 = tpu.vector_load %arg6[%get3A_231, %get3A_232, %get3A_233] {strides = array<i32>} : memref<2x200x64xf32, #tpu.memory_space<vmem>>, vector<1x1x16xf32>,
        %get3A_235 = vector.shape_cast %get3A_234 : vector<1x1x16xf32> to vector<16xf32>
        %add3A_236 = arith.addf %scan3A_171, %get3A_235 : vector<16xf32>
        %add3A_237 = arith.constant 2 : i32
        %add3A_238 = arith.addi %mul3A_173, %add3A_237 : i32
        %get3A_239 = arith.constant 0 : i32
        %get3A_240 = arith.index_cast %get3A_239 : i32 to index
        %get3A_241 = arith.index_cast %add3A_238 : i32 to index
        %get3A_242 = arith.constant 0 : index
        %get3A_243 = tpu.vector_load %arg6[%get3A_240, %get3A_241, %get3A_242] {strides = array<i32>} : memref<2x200x64xf32, #tpu.memory_space<vmem>>, vector<1x1x16xf32>,
        %get3A_244 = vector.shape_cast %get3A_243 : vector<1x1x16xf32> to vector<16xf32>
        %add3A_245 = arith.addf %add3A_179, %get3A_244 : vector<16xf32>
        %add3A_246 = arith.constant 2 : i32
        %add3A_247 = arith.addi %mul3A_173, %add3A_246 : i32
        %get3A_248 = arith.constant 0 : i32
        %get3A_249 = arith.index_cast %get3A_248 : i32 to index
        %get3A_250 = arith.index_cast %add3A_247 : i32 to index
        %get3A_251 = arith.constant 16 : index
        %get3A_252 = tpu.vector_load %arg6[%get3A_249, %get3A_250, %get3A_251] {strides = array<i32>} : memref<2x200x64xf32, #tpu.memory_space<vmem>>, vector<1x1x16xf32>,
        %get3A_253 = vector.shape_cast %get3A_252 : vector<1x1x16xf32> to vector<16xf32>
        %add3A_254 = arith.addf %add3A_186, %get3A_253 : vector<16xf32>
        %add3A_255 = arith.constant 2 : i32
        %add3A_256 = arith.addi %mul3A_173, %add3A_255 : i32
        %get3A_257 = arith.constant 0 : i32
        %get3A_258 = arith.index_cast %get3A_257 : i32 to index
        %get3A_259 = arith.index_cast %add3A_256 : i32 to index
        %get3A_260 = arith.constant 32 : index
        %get3A_261 = tpu.vector_load %arg6[%get3A_258, %get3A_259, %get3A_260] {strides = array<i32>} : memref<2x200x64xf32, #tpu.memory_space<vmem>>, vector<1x1x16xf32>,
        %get3A_262 = vector.shape_cast %get3A_261 : vector<1x1x16xf32> to vector<16xf32>
        %add3A_263 = arith.addf %add3A_193, %get3A_262 : vector<16xf32>
        %add3A_264 = arith.constant 2 : i32
        %add3A_265 = arith.addi %mul3A_173, %add3A_264 : i32
        %get3A_266 = arith.constant 0 : i32
        %get3A_267 = arith.index_cast %get3A_266 : i32 to index
        %get3A_268 = arith.index_cast %add3A_265 : i32 to index
        %get3A_269 = arith.constant 48 : index
        %get3A_270 = tpu.vector_load %arg6[%get3A_267, %get3A_268, %get3A_269] {strides = array<i32>} : memref<2x200x64xf32, #tpu.memory_space<vmem>>, vector<1x1x16xf32>,
        %get3A_271 = vector.shape_cast %get3A_270 : vector<1x1x16xf32> to vector<16xf32>
        %add3A_272 = arith.addf %add3A_200, %get3A_271 : vector<16xf32>
        %add3A_273 = arith.constant 3 : i32
        %add3A_274 = arith.addi %mul3A_173, %add3A_273 : i32
        %get3A_275 = arith.constant 0 : i32
        %get3A_276 = arith.index_cast %get3A_275 : i32 to index
        %get3A_277 = arith.index_cast %add3A_274 : i32 to index
        %get3A_278 = arith.constant 0 : index
        %get3A_279 = tpu.vector_load %arg6[%get3A_276, %get3A_277, %get3A_278] {strides = array<i32>} : memref<2x200x64xf32, #tpu.memory_space<vmem>>, vector<1x1x16xf32>,
        %get3A_280 = vector.shape_cast %get3A_279 : vector<1x1x16xf32> to vector<16xf32>
        %add3A_281 = arith.addf %add3A_209, %get3A_280 : vector<16xf32>
        %add3A_282 = arith.constant 3 : i32
        %add3A_283 = arith.addi %mul3A_173, %add3A_282 : i32
        %get3A_284 = arith.constant 0 : i32
        %get3A_285 = arith.index_cast %get3A_284 : i32 to index
        %get3A_286 = arith.index_cast %add3A_283 : i32 to index
        %get3A_287 = arith.constant 16 : index
        %get3A_288 = tpu.vector_load %arg6[%get3A_285, %get3A_286, %get3A_287] {strides = array<i32>} : memref<2x200x64xf32, #tpu.memory_space<vmem>>, vector<1x1x16xf32>,
        %get3A_289 = vector.shape_cast %get3A_288 : vector<1x1x16xf32> to vector<16xf32>
        %add3A_290 = arith.addf %add3A_218, %get3A_289 : vector<16xf32>
        %add3A_291 = arith.constant 3 : i32
        %add3A_292 = arith.addi %mul3A_173, %add3A_291 : i32
        %get3A_293 = arith.constant 0 : i32
        %get3A_294 = arith.index_cast %get3A_293 : i32 to index
        %get3A_295 = arith.index_cast %add3A_292 : i32 to index
        %get3A_296 = arith.constant 32 : index
        %get3A_297 = tpu.vector_load %arg6[%get3A_294, %get3A_295, %get3A_296] {strides = array<i32>} : memref<2x200x64xf32, #tpu.memory_space<vmem>>, vector<1x1x16xf32>,
        %get3A_298 = vector.shape_cast %get3A_297 : vector<1x1x16xf32> to vector<16xf32>
        %add3A_299 = arith.addf %add3A_227, %get3A_298 : vector<16xf32>
        %add3A_300 = arith.constant 3 : i32
        %add3A_301 = arith.addi %mul3A_173, %add3A_300 : i32
        %get3A_302 = arith.constant 0 : i32
        %get3A_303 = arith.index_cast %get3A_302 : i32 to index
        %get3A_304 = arith.index_cast %add3A_301 : i32 to index
        %get3A_305 = arith.constant 48 : index
        %get3A_306 = tpu.vector_load %arg6[%get3A_303, %get3A_304, %get3A_305] {strides = array<i32>} : memref<2x200x64xf32, #tpu.memory_space<vmem>>, vector<1x1x16xf32>,
        %get3A_307 = vector.shape_cast %get3A_306 : vector<1x1x16xf32> to vector<16xf32>
        %add3A_308 = arith.addf %add3A_236, %get3A_307 : vector<16xf32>
        scf.yield %add3A_245, %add3A_254, %add3A_263, %add3A_272, %add3A_281, %add3A_290, %add3A_299, %add3A_308 : vector<16xf32>, vector<16xf32>, vector<16xf32>, vector<16xf32>, vector<16xf32>, vector<16xf32>, vector<16xf32>, vector<16xf32>
      }
      %scan3A_81 = arith.constant 50 : i32
      %add3A_82 = arith.addf %scan3A_80#0, %scan3A_80#4 : vector<16xf32>
      %swap3A = arith.index_cast %mul3A_31 : i32 to index
      %swap3A_83 = arith.constant 0 : index
      %swap3A_84 = tpu.vector_load %arg7[%swap3A, %swap3A_83] {strides = array<i32>} : memref<128x64xf32, #tpu.memory_space<vmem>>, vector<1x16xf32>,
      %swap3A_85 = vector.shape_cast %swap3A_84 : vector<1x16xf32> to vector<16xf32>
      %swap3A_86 = vector.shape_cast %add3A_82 : vector<16xf32> to vector<1x16xf32>
      tpu.vector_store %arg7[%swap3A, %swap3A_83], %swap3A_86 {strides = array<i32>} : memref<128x64xf32, #tpu.memory_space<vmem>>, vector<1x16xf32>,
      %add3A_87 = arith.addf %scan3A_80#1, %scan3A_80#5 : vector<16xf32>
      %swap3A_88 = arith.index_cast %mul3A_31 : i32 to index
      %swap3A_89 = arith.constant 16 : index
      %swap3A_90 = tpu.vector_load %arg7[%swap3A_88, %swap3A_89] {strides = array<i32>} : memref<128x64xf32, #tpu.memory_space<vmem>>, vector<1x16xf32>,
      %swap3A_91 = vector.shape_cast %swap3A_90 : vector<1x16xf32> to vector<16xf32>
      %swap3A_92 = vector.shape_cast %add3A_87 : vector<16xf32> to vector<1x16xf32>
      tpu.vector_store %arg7[%swap3A_88, %swap3A_89], %swap3A_92 {strides = array<i32>} : memref<128x64xf32, #tpu.memory_space<vmem>>, vector<1x16xf32>,
      %add3A_93 = arith.addf %scan3A_80#2, %scan3A_80#6 : vector<16xf32>
      %swap3A_94 = arith.index_cast %mul3A_31 : i32 to index
      %swap3A_95 = arith.constant 32 : index
      %swap3A_96 = tpu.vector_load %arg7[%swap3A_94, %swap3A_95] {strides = array<i32>} : memref<128x64xf32, #tpu.memory_space<vmem>>, vector<1x16xf32>,
      %swap3A_97 = vector.shape_cast %swap3A_96 : vector<1x16xf32> to vector<16xf32>
      %swap3A_98 = vector.shape_cast %add3A_93 : vector<16xf32> to vector<1x16xf32>
      tpu.vector_store %arg7[%swap3A_94, %swap3A_95], %swap3A_98 {strides = array<i32>} : memref<128x64xf32, #tpu.memory_space<vmem>>, vector<1x16xf32>,
      %add3A_99 = arith.addf %scan3A_80#3, %scan3A_80#7 : vector<16xf32>
      %swap3A_100 = arith.index_cast %mul3A_31 : i32 to index
      %swap3A_101 = arith.constant 48 : index
      %swap3A_102 = tpu.vector_load %arg7[%swap3A_100, %swap3A_101] {strides = array<i32>} : memref<128x64xf32, #tpu.memory_space<vmem>>, vector<1x16xf32>,
      %swap3A_103 = vector.shape_cast %swap3A_102 : vector<1x16xf32> to vector<16xf32>
      %swap3A_104 = vector.shape_cast %add3A_99 : vector<16xf32> to vector<1x16xf32>
      tpu.vector_store %arg7[%swap3A_100, %swap3A_101], %swap3A_104 {strides = array<i32>} : memref<128x64xf32, #tpu.memory_space<vmem>>, vector<1x16xf32>,
      %add3A_105 = arith.constant 2 : i32
      %add3A_106 = arith.addi %mul3A_31, %add3A_105 : i32
      %lt3A = arith.constant 128 : i32
      %lt3A_107 = arith.cmpi slt, %add3A_106, %lt3A : i32
      %convert_element_type3A = arith.extui %lt3A_107 : i1 to i32
      %cond3A = arith.constant 0 : i32
      %cond3A_108 = arith.cmpi ne, %convert_element_type3A, %cond3A : i32
      scf.if %cond3A_108 {
        %add3A_163 = arith.constant 2 : i32
        %add3A_164 = arith.addi %mul3A_31, %add3A_163 : i32
        %mul3A_165 = arith.constant 256 : i32
        %mul3A_166 = arith.muli %add3A_164, %mul3A_165 : i32
        %dma_start3A_167 = arith.constant 0 : i32
        %dma_start3A_168 = arith.constant 0 : i32
        %dma_start3A_169 = arith.constant 0 : i32
        %dma_start3A_170 = tpu.memref_slice %arg6[%dma_start3A_167, %dma_start3A_168, %dma_start3A_169] : memref<2x200x64xf32, #tpu.memory_space<vmem>> -> memref<1x128x64xf32, #tpu.memory_space<vmem>>
        %dma_start3A_171 = tpu.memref_squeeze %dma_start3A_170 : memref<1x128x64xf32, #tpu.memory_space<vmem>> -> memref<128x64xf32, #tpu.memory_space<vmem>>
        %dma_start3A_172 = tpu.memref_slice %arg5[%mul3A_166] : memref<32768xi32, #tpu.memory_space<vmem>> -> memref<128xi32, #tpu.memory_space<vmem>>
        %dma_start3A_173 = arith.constant 0 : i32
        %dma_start3A_174 = arith.constant 0 : i32
        %dma_start3A_175 = tpu.memref_slice %arg2[%dma_start3A_173, %dma_start3A_174] : memref<114688x64xf32, #tpu.memory_space<hbm>> -> memref<114688x64xf32, #tpu.memory_space<hbm>>
        tpu.enqueue_indirect_dma source(%dma_start3A_175 : memref<114688x64xf32, #tpu.memory_space<hbm>>) target(%dma_start3A_171 : memref<128x64xf32, #tpu.memory_space<vmem>>) offsets(%dma_start3A_172 : memref<128xi32, #tpu.memory_space<vmem>>) semaphore(%arg8 : memref<!tpu.dma_semaphore, #tpu.memory_space<semaphore_mem>>)
        %add3A_176 = arith.constant 128 : i32
        %add3A_177 = arith.addi %mul3A_166, %add3A_176 : i32
        %dma_start3A_178 = arith.constant 0 : i32
        %dma_start3A_179 = arith.constant 128 : i32
        %dma_start3A_180 = arith.constant 0 : i32
        %dma_start3A_181 = tpu.memref_slice %arg6[%dma_start3A_178, %dma_start3A_179, %dma_start3A_180] : memref<2x200x64xf32, #tpu.memory_space<vmem>> -> memref<1x72x64xf32, #tpu.memory_space<vmem>>
        %dma_start3A_182 = tpu.memref_squeeze %dma_start3A_181 : memref<1x72x64xf32, #tpu.memory_space<vmem>> -> memref<72x64xf32, #tpu.memory_space<vmem>>
        %dma_start3A_183 = tpu.memref_slice %arg5[%add3A_177] : memref<32768xi32, #tpu.memory_space<vmem>> -> memref<72xi32, #tpu.memory_space<vmem>>
        %dma_start3A_184 = arith.constant 0 : i32
        %dma_start3A_185 = arith.constant 0 : i32
        %dma_start3A_186 = tpu.memref_slice %arg2[%dma_start3A_184, %dma_start3A_185] : memref<114688x64xf32, #tpu.memory_space<hbm>> -> memref<114688x64xf32, #tpu.memory_space<hbm>>
        tpu.enqueue_indirect_dma source(%dma_start3A_186 : memref<114688x64xf32, #tpu.memory_space<hbm>>) target(%dma_start3A_182 : memref<72x64xf32, #tpu.memory_space<vmem>>) offsets(%dma_start3A_183 : memref<72xi32, #tpu.memory_space<vmem>>) semaphore(%arg8 : memref<!tpu.dma_semaphore, #tpu.memory_space<semaphore_mem>>)
      } else {
      }
      %dma_wait3A_109 = arith.constant 1 : i32
      %dma_wait3A_110 = arith.constant 0 : i32
      %dma_wait3A_111 = arith.constant 0 : i32
      %dma_wait3A_112 = tpu.memref_slice %arg6[%dma_wait3A_109, %dma_wait3A_110, %dma_wait3A_111] : memref<2x200x64xf32, #tpu.memory_space<vmem>> -> memref<1x128x64xf32, #tpu.memory_space<vmem>>
      %dma_wait3A_113 = tpu.memref_squeeze %dma_wait3A_112 : memref<1x128x64xf32, #tpu.memory_space<vmem>> -> memref<128x64xf32, #tpu.memory_space<vmem>>
      %dma_wait3A_114 = arith.constant 0 : i32
      %dma_wait3A_115 = tpu.memref_slice %arg5[%dma_wait3A_114] : memref<32768xi32, #tpu.memory_space<vmem>> -> memref<128xi32, #tpu.memory_space<vmem>>
      %dma_wait3A_116 = arith.constant 0 : i32
      %dma_wait3A_117 = arith.constant 0 : i32
      %dma_wait3A_118 = tpu.memref_slice %arg2[%dma_wait3A_116, %dma_wait3A_117] : memref<114688x64xf32, #tpu.memory_space<hbm>> -> memref<114688x64xf32, #tpu.memory_space<hbm>>
      tpu.wait_indirect_dma semaphore(%arg9 : memref<!tpu.dma_semaphore, #tpu.memory_space<semaphore_mem>>) src(%dma_wait3A_118 : memref<114688x64xf32, #tpu.memory_space<hbm>>) dst(%dma_wait3A_113 : memref<128x64xf32, #tpu.memory_space<vmem>>)
      %dma_wait3A_119 = arith.constant 1 : i32
      %dma_wait3A_120 = arith.constant 128 : i32
      %dma_wait3A_121 = arith.constant 0 : i32
      %dma_wait3A_122 = tpu.memref_slice %arg6[%dma_wait3A_119, %dma_wait3A_120, %dma_wait3A_121] : memref<2x200x64xf32, #tpu.memory_space<vmem>> -> memref<1x72x64xf32, #tpu.memory_space<vmem>>
      %dma_wait3A_123 = tpu.memref_squeeze %dma_wait3A_122 : memref<1x72x64xf32, #tpu.memory_space<vmem>> -> memref<72x64xf32, #tpu.memory_space<vmem>>
      %dma_wait3A_124 = arith.constant 0 : i32
      %dma_wait3A_125 = tpu.memref_slice %arg5[%dma_wait3A_124] : memref<32768xi32, #tpu.memory_space<vmem>> -> memref<72xi32, #tpu.memory_space<vmem>>
      %dma_wait3A_126 = arith.constant 0 : i32
      %dma_wait3A_127 = arith.constant 0 : i32
      %dma_wait3A_128 = tpu.memref_slice %arg2[%dma_wait3A_126, %dma_wait3A_127] : memref<114688x64xf32, #tpu.memory_space<hbm>> -> memref<114688x64xf32, #tpu.memory_space<hbm>>
      tpu.wait_indirect_dma semaphore(%arg9 : memref<!tpu.dma_semaphore, #tpu.memory_space<semaphore_mem>>) src(%dma_wait3A_128 : memref<114688x64xf32, #tpu.memory_space<hbm>>) dst(%dma_wait3A_123 : memref<72x64xf32, #tpu.memory_space<vmem>>)
      %add3A_129 = arith.constant 1 : i32
      %add3A_130 = arith.addi %mul3A_31, %add3A_129 : i32
      %broadcast_in_dim3A_131 = arith.constant 0.000000e+00 : f32
      %broadcast_in_dim3A_132 = vector.broadcast %broadcast_in_dim3A_131 : f32 to vector<16xf32>
      %scan3A_133 = arith.constant 0 : i32
      %scan3A_134 = arith.constant 50 : i32
      %scan3A_135 = arith.addi %scan3A_133, %scan3A_134 : i32
      %scan3A_136 = arith.constant 1 : i32
      %scan3A_137:8 = scf.for %scan3A_163 = %scan3A_133 to %scan3A_135 step %scan3A_136 iter_args(%scan3A_164 = %broadcast_in_dim3A_132, %scan3A_165 = %broadcast_in_dim3A_132, %scan3A_166 = %broadcast_in_dim3A_132, %scan3A_167 = %broadcast_in_dim3A_132, %scan3A_168 = %broadcast_in_dim3A_132, %scan3A_169 = %broadcast_in_dim3A_132, %scan3A_170 = %broadcast_in_dim3A_132, %scan3A_171 = %broadcast_in_dim3A_132) -> (vector<16xf32>, vector<16xf32>, vector<16xf32>, vector<16xf32>, vector<16xf32>, vector<16xf32>, vector<16xf32>, vector<16xf32>)  : i32 {
        %mul3A_172 = arith.constant 4 : i32
        %mul3A_173 = arith.muli %mul3A_172, %scan3A_163 : i32
        %get3A = arith.constant 1 : i32
        %get3A_174 = arith.index_cast %get3A : i32 to index
        %get3A_175 = arith.index_cast %mul3A_173 : i32 to index
        %get3A_176 = arith.constant 0 : index
        %get3A_177 = tpu.vector_load %arg6[%get3A_174, %get3A_175, %get3A_176] {strides = array<i32>} : memref<2x200x64xf32, #tpu.memory_space<vmem>>, vector<1x1x16xf32>,
        %get3A_178 = vector.shape_cast %get3A_177 : vector<1x1x16xf32> to vector<16xf32>
        %add3A_179 = arith.addf %scan3A_164, %get3A_178 : vector<16xf32>
        %get3A_180 = arith.constant 1 : i32
        %get3A_181 = arith.index_cast %get3A_180 : i32 to index
        %get3A_182 = arith.index_cast %mul3A_173 : i32 to index
        %get3A_183 = arith.constant 16 : index
        %get3A_184 = tpu.vector_load %arg6[%get3A_181, %get3A_182, %get3A_183] {strides = array<i32>} : memref<2x200x64xf32, #tpu.memory_space<vmem>>, vector<1x1x16xf32>,
        %get3A_185 = vector.shape_cast %get3A_184 : vector<1x1x16xf32> to vector<16xf32>
        %add3A_186 = arith.addf %scan3A_165, %get3A_185 : vector<16xf32>
        %get3A_187 = arith.constant 1 : i32
        %get3A_188 = arith.index_cast %get3A_187 : i32 to index
        %get3A_189 = arith.index_cast %mul3A_173 : i32 to index
        %get3A_190 = arith.constant 32 : index
        %get3A_191 = tpu.vector_load %arg6[%get3A_188, %get3A_189, %get3A_190] {strides = array<i32>} : memref<2x200x64xf32, #tpu.memory_space<vmem>>, vector<1x1x16xf32>,
        %get3A_192 = vector.shape_cast %get3A_191 : vector<1x1x16xf32> to vector<16xf32>
        %add3A_193 = arith.addf %scan3A_166, %get3A_192 : vector<16xf32>
        %get3A_194 = arith.constant 1 : i32
        %get3A_195 = arith.index_cast %get3A_194 : i32 to index
        %get3A_196 = arith.index_cast %mul3A_173 : i32 to index
        %get3A_197 = arith.constant 48 : index
        %get3A_198 = tpu.vector_load %arg6[%get3A_195, %get3A_196, %get3A_197] {strides = array<i32>} : memref<2x200x64xf32, #tpu.memory_space<vmem>>, vector<1x1x16xf32>,
        %get3A_199 = vector.shape_cast %get3A_198 : vector<1x1x16xf32> to vector<16xf32>
        %add3A_200 = arith.addf %scan3A_167, %get3A_199 : vector<16xf32>
        %add3A_201 = arith.constant 1 : i32
        %add3A_202 = arith.addi %mul3A_173, %add3A_201 : i32
        %get3A_203 = arith.constant 1 : i32
        %get3A_204 = arith.index_cast %get3A_203 : i32 to index
        %get3A_205 = arith.index_cast %add3A_202 : i32 to index
        %get3A_206 = arith.constant 0 : index
        %get3A_207 = tpu.vector_load %arg6[%get3A_204, %get3A_205, %get3A_206] {strides = array<i32>} : memref<2x200x64xf32, #tpu.memory_space<vmem>>, vector<1x1x16xf32>,
        %get3A_208 = vector.shape_cast %get3A_207 : vector<1x1x16xf32> to vector<16xf32>
        %add3A_209 = arith.addf %scan3A_168, %get3A_208 : vector<16xf32>
        %add3A_210 = arith.constant 1 : i32
        %add3A_211 = arith.addi %mul3A_173, %add3A_210 : i32
        %get3A_212 = arith.constant 1 : i32
        %get3A_213 = arith.index_cast %get3A_212 : i32 to index
        %get3A_214 = arith.index_cast %add3A_211 : i32 to index
        %get3A_215 = arith.constant 16 : index
        %get3A_216 = tpu.vector_load %arg6[%get3A_213, %get3A_214, %get3A_215] {strides = array<i32>} : memref<2x200x64xf32, #tpu.memory_space<vmem>>, vector<1x1x16xf32>,
        %get3A_217 = vector.shape_cast %get3A_216 : vector<1x1x16xf32> to vector<16xf32>
        %add3A_218 = arith.addf %scan3A_169, %get3A_217 : vector<16xf32>
        %add3A_219 = arith.constant 1 : i32
        %add3A_220 = arith.addi %mul3A_173, %add3A_219 : i32
        %get3A_221 = arith.constant 1 : i32
        %get3A_222 = arith.index_cast %get3A_221 : i32 to index
        %get3A_223 = arith.index_cast %add3A_220 : i32 to index
        %get3A_224 = arith.constant 32 : index
        %get3A_225 = tpu.vector_load %arg6[%get3A_222, %get3A_223, %get3A_224] {strides = array<i32>} : memref<2x200x64xf32, #tpu.memory_space<vmem>>, vector<1x1x16xf32>,
        %get3A_226 = vector.shape_cast %get3A_225 : vector<1x1x16xf32> to vector<16xf32>
        %add3A_227 = arith.addf %scan3A_170, %get3A_226 : vector<16xf32>
        %add3A_228 = arith.constant 1 : i32
        %add3A_229 = arith.addi %mul3A_173, %add3A_228 : i32
        %get3A_230 = arith.constant 1 : i32
        %get3A_231 = arith.index_cast %get3A_230 : i32 to index
        %get3A_232 = arith.index_cast %add3A_229 : i32 to index
        %get3A_233 = arith.constant 48 : index
        %get3A_234 = tpu.vector_load %arg6[%get3A_231, %get3A_232, %get3A_233] {strides = array<i32>} : memref<2x200x64xf32, #tpu.memory_space<vmem>>, vector<1x1x16xf32>,
        %get3A_235 = vector.shape_cast %get3A_234 : vector<1x1x16xf32> to vector<16xf32>
        %add3A_236 = arith.addf %scan3A_171, %get3A_235 : vector<16xf32>
        %add3A_237 = arith.constant 2 : i32
        %add3A_238 = arith.addi %mul3A_173, %add3A_237 : i32
        %get3A_239 = arith.constant 1 : i32
        %get3A_240 = arith.index_cast %get3A_239 : i32 to index
        %get3A_241 = arith.index_cast %add3A_238 : i32 to index
        %get3A_242 = arith.constant 0 : index
        %get3A_243 = tpu.vector_load %arg6[%get3A_240, %get3A_241, %get3A_242] {strides = array<i32>} : memref<2x200x64xf32, #tpu.memory_space<vmem>>, vector<1x1x16xf32>,
        %get3A_244 = vector.shape_cast %get3A_243 : vector<1x1x16xf32> to vector<16xf32>
        %add3A_245 = arith.addf %add3A_179, %get3A_244 : vector<16xf32>
        %add3A_246 = arith.constant 2 : i32
        %add3A_247 = arith.addi %mul3A_173, %add3A_246 : i32
        %get3A_248 = arith.constant 1 : i32
        %get3A_249 = arith.index_cast %get3A_248 : i32 to index
        %get3A_250 = arith.index_cast %add3A_247 : i32 to index
        %get3A_251 = arith.constant 16 : index
        %get3A_252 = tpu.vector_load %arg6[%get3A_249, %get3A_250, %get3A_251] {strides = array<i32>} : memref<2x200x64xf32, #tpu.memory_space<vmem>>, vector<1x1x16xf32>,
        %get3A_253 = vector.shape_cast %get3A_252 : vector<1x1x16xf32> to vector<16xf32>
        %add3A_254 = arith.addf %add3A_186, %get3A_253 : vector<16xf32>
        %add3A_255 = arith.constant 2 : i32
        %add3A_256 = arith.addi %mul3A_173, %add3A_255 : i32
        %get3A_257 = arith.constant 1 : i32
        %get3A_258 = arith.index_cast %get3A_257 : i32 to index
        %get3A_259 = arith.index_cast %add3A_256 : i32 to index
        %get3A_260 = arith.constant 32 : index
        %get3A_261 = tpu.vector_load %arg6[%get3A_258, %get3A_259, %get3A_260] {strides = array<i32>} : memref<2x200x64xf32, #tpu.memory_space<vmem>>, vector<1x1x16xf32>,
        %get3A_262 = vector.shape_cast %get3A_261 : vector<1x1x16xf32> to vector<16xf32>
        %add3A_263 = arith.addf %add3A_193, %get3A_262 : vector<16xf32>
        %add3A_264 = arith.constant 2 : i32
        %add3A_265 = arith.addi %mul3A_173, %add3A_264 : i32
        %get3A_266 = arith.constant 1 : i32
        %get3A_267 = arith.index_cast %get3A_266 : i32 to index
        %get3A_268 = arith.index_cast %add3A_265 : i32 to index
        %get3A_269 = arith.constant 48 : index
        %get3A_270 = tpu.vector_load %arg6[%get3A_267, %get3A_268, %get3A_269] {strides = array<i32>} : memref<2x200x64xf32, #tpu.memory_space<vmem>>, vector<1x1x16xf32>,
        %get3A_271 = vector.shape_cast %get3A_270 : vector<1x1x16xf32> to vector<16xf32>
        %add3A_272 = arith.addf %add3A_200, %get3A_271 : vector<16xf32>
        %add3A_273 = arith.constant 3 : i32
        %add3A_274 = arith.addi %mul3A_173, %add3A_273 : i32
        %get3A_275 = arith.constant 1 : i32
        %get3A_276 = arith.index_cast %get3A_275 : i32 to index
        %get3A_277 = arith.index_cast %add3A_274 : i32 to index
        %get3A_278 = arith.constant 0 : index
        %get3A_279 = tpu.vector_load %arg6[%get3A_276, %get3A_277, %get3A_278] {strides = array<i32>} : memref<2x200x64xf32, #tpu.memory_space<vmem>>, vector<1x1x16xf32>,
        %get3A_280 = vector.shape_cast %get3A_279 : vector<1x1x16xf32> to vector<16xf32>
        %add3A_281 = arith.addf %add3A_209, %get3A_280 : vector<16xf32>
        %add3A_282 = arith.constant 3 : i32
        %add3A_283 = arith.addi %mul3A_173, %add3A_282 : i32
        %get3A_284 = arith.constant 1 : i32
        %get3A_285 = arith.index_cast %get3A_284 : i32 to index
        %get3A_286 = arith.index_cast %add3A_283 : i32 to index
        %get3A_287 = arith.constant 16 : index
        %get3A_288 = tpu.vector_load %arg6[%get3A_285, %get3A_286, %get3A_287] {strides = array<i32>} : memref<2x200x64xf32, #tpu.memory_space<vmem>>, vector<1x1x16xf32>,
        %get3A_289 = vector.shape_cast %get3A_288 : vector<1x1x16xf32> to vector<16xf32>
        %add3A_290 = arith.addf %add3A_218, %get3A_289 : vector<16xf32>
        %add3A_291 = arith.constant 3 : i32
        %add3A_292 = arith.addi %mul3A_173, %add3A_291 : i32
        %get3A_293 = arith.constant 1 : i32
        %get3A_294 = arith.index_cast %get3A_293 : i32 to index
        %get3A_295 = arith.index_cast %add3A_292 : i32 to index
        %get3A_296 = arith.constant 32 : index
        %get3A_297 = tpu.vector_load %arg6[%get3A_294, %get3A_295, %get3A_296] {strides = array<i32>} : memref<2x200x64xf32, #tpu.memory_space<vmem>>, vector<1x1x16xf32>,
        %get3A_298 = vector.shape_cast %get3A_297 : vector<1x1x16xf32> to vector<16xf32>
        %add3A_299 = arith.addf %add3A_227, %get3A_298 : vector<16xf32>
        %add3A_300 = arith.constant 3 : i32
        %add3A_301 = arith.addi %mul3A_173, %add3A_300 : i32
        %get3A_302 = arith.constant 1 : i32
        %get3A_303 = arith.index_cast %get3A_302 : i32 to index
        %get3A_304 = arith.index_cast %add3A_301 : i32 to index
        %get3A_305 = arith.constant 48 : index
        %get3A_306 = tpu.vector_load %arg6[%get3A_303, %get3A_304, %get3A_305] {strides = array<i32>} : memref<2x200x64xf32, #tpu.memory_space<vmem>>, vector<1x1x16xf32>,
        %get3A_307 = vector.shape_cast %get3A_306 : vector<1x1x16xf32> to vector<16xf32>
        %add3A_308 = arith.addf %add3A_236, %get3A_307 : vector<16xf32>
        scf.yield %add3A_245, %add3A_254, %add3A_263, %add3A_272, %add3A_281, %add3A_290, %add3A_299, %add3A_308 : vector<16xf32>, vector<16xf32>, vector<16xf32>, vector<16xf32>, vector<16xf32>, vector<16xf32>, vector<16xf32>, vector<16xf32>
      }
      %scan3A_138 = arith.constant 50 : i32
      %add3A_139 = arith.addf %scan3A_137#0, %scan3A_137#4 : vector<16xf32>
      %swap3A_140 = arith.index_cast %add3A_130 : i32 to index
      %swap3A_141 = arith.constant 0 : index
      %swap3A_142 = tpu.vector_load %arg7[%swap3A_140, %swap3A_141] {strides = array<i32>} : memref<128x64xf32, #tpu.memory_space<vmem>>, vector<1x16xf32>,
      %swap3A_143 = vector.shape_cast %swap3A_142 : vector<1x16xf32> to vector<16xf32>
      %swap3A_144 = vector.shape_cast %add3A_139 : vector<16xf32> to vector<1x16xf32>
      tpu.vector_store %arg7[%swap3A_140, %swap3A_141], %swap3A_144 {strides = array<i32>} : memref<128x64xf32, #tpu.memory_space<vmem>>, vector<1x16xf32>,
      %add3A_145 = arith.addf %scan3A_137#1, %scan3A_137#5 : vector<16xf32>
      %swap3A_146 = arith.index_cast %add3A_130 : i32 to index
      %swap3A_147 = arith.constant 16 : index
      %swap3A_148 = tpu.vector_load %arg7[%swap3A_146, %swap3A_147] {strides = array<i32>} : memref<128x64xf32, #tpu.memory_space<vmem>>, vector<1x16xf32>,
      %swap3A_149 = vector.shape_cast %swap3A_148 : vector<1x16xf32> to vector<16xf32>
      %swap3A_150 = vector.shape_cast %add3A_145 : vector<16xf32> to vector<1x16xf32>
      tpu.vector_store %arg7[%swap3A_146, %swap3A_147], %swap3A_150 {strides = array<i32>} : memref<128x64xf32, #tpu.memory_space<vmem>>, vector<1x16xf32>,
      %add3A_151 = arith.addf %scan3A_137#2, %scan3A_137#6 : vector<16xf32>
      %swap3A_152 = arith.index_cast %add3A_130 : i32 to index
      %swap3A_153 = arith.constant 32 : index
      %swap3A_154 = tpu.vector_load %arg7[%swap3A_152, %swap3A_153] {strides = array<i32>} : memref<128x64xf32, #tpu.memory_space<vmem>>, vector<1x16xf32>,
      %swap3A_155 = vector.shape_cast %swap3A_154 : vector<1x16xf32> to vector<16xf32>
      %swap3A_156 = vector.shape_cast %add3A_151 : vector<16xf32> to vector<1x16xf32>
      tpu.vector_store %arg7[%swap3A_152, %swap3A_153], %swap3A_156 {strides = array<i32>} : memref<128x64xf32, #tpu.memory_space<vmem>>, vector<1x16xf32>,
      %add3A_157 = arith.addf %scan3A_137#3, %scan3A_137#7 : vector<16xf32>
      %swap3A_158 = arith.index_cast %add3A_130 : i32 to index
      %swap3A_159 = arith.constant 48 : index
      %swap3A_160 = tpu.vector_load %arg7[%swap3A_158, %swap3A_159] {strides = array<i32>} : memref<128x64xf32, #tpu.memory_space<vmem>>, vector<1x16xf32>,
      %swap3A_161 = vector.shape_cast %swap3A_160 : vector<1x16xf32> to vector<16xf32>
      %swap3A_162 = vector.shape_cast %add3A_157 : vector<16xf32> to vector<1x16xf32>
      tpu.vector_store %arg7[%swap3A_158, %swap3A_159], %swap3A_162 {strides = array<i32>} : memref<128x64xf32, #tpu.memory_space<vmem>>, vector<1x16xf32>,
    }
    %scan3A_26 = arith.constant 64 : i32
    %mul3A_27 = arith.constant 128 : i32
    %mul3A_28 = arith.muli %add3A, %mul3A_27 : i32
    "tpu.region"() ({
      %run_scoped3A = tpu.sem_alloc : memref<!tpu.dma_semaphore, #tpu.memory_space<semaphore_mem>>
      %dma_start3A_29 = arith.constant 0 : i32
      %dma_start3A_30 = tpu.memref_slice %arg4[%mul3A_28, %dma_start3A_29] : memref<4096x64xf32, #tpu.memory_space<hbm>> -> memref<128x64xf32, #tpu.memory_space<hbm>>
      %dma_start3A_31 = arith.constant 0 : i32
      %dma_start3A_32 = tpu.memref_slice %arg4[%mul3A_28, %dma_start3A_31] : memref<4096x64xf32, #tpu.memory_space<hbm>> -> memref<128x64xf32, #tpu.memory_space<hbm>>
      tpu.enqueue_dma source(%arg7 : memref<128x64xf32, #tpu.memory_space<vmem>>) target(%dma_start3A_32 : memref<128x64xf32, #tpu.memory_space<hbm>>) target_semaphore(%run_scoped3A : memref<!tpu.dma_semaphore, #tpu.memory_space<semaphore_mem>>)
      %dma_wait3A = arith.constant 0 : i32
      %dma_wait3A_33 = tpu.memref_slice %arg4[%mul3A_28, %dma_wait3A] : memref<4096x64xf32, #tpu.memory_space<hbm>> -> memref<128x64xf32, #tpu.memory_space<hbm>>
      %dma_wait3A_34 = arith.constant 0 : i32
      %dma_wait3A_35 = tpu.memref_slice %arg4[%mul3A_28, %dma_wait3A_34] : memref<4096x64xf32, #tpu.memory_space<hbm>> -> memref<128x64xf32, #tpu.memory_space<hbm>>
      tpu.wait_dma2 semaphore(%run_scoped3A : memref<!tpu.dma_semaphore, #tpu.memory_space<semaphore_mem>>) src(%arg7 : memref<128x64xf32, #tpu.memory_space<vmem>>) dst(%dma_wait3A_35 : memref<128x64xf32, #tpu.memory_space<hbm>>)
      tpu.yield
    }) : () -> ()
    return
  }
}

module attributes {stable_mosaic.version = 14 : i64} {
  func.func @_table_lin_body(%arg0: i32, %arg1: memref<64x16384xf32, #tpu.memory_space<vmem>>, %arg2: memref<8192x128xf32, #tpu.memory_space<vmem>>) attributes {dimension_semantics = [#tpu.dimension_semantics<arbitrary>], iteration_bounds = array<i64: 7>, scalar_prefetch = 0 : i64, scratch_operands = 0 : i64, tpu.core_type = #tpu.core_type<tc>, window_params = [{transform_indices = @transform_0, window_bounds = array<i64: 64, 16384>}, {transform_indices = @transform_1, window_bounds = array<i64: 8192, 128>}]} {
    %get3A = arith.constant 0 : index
    %get3A_0 = arith.constant 0 : index
    %get3A_1 = vector.load %arg1[%get3A, %get3A_0] : memref<64x16384xf32, #tpu.memory_space<vmem>>, vector<64x16384xf32>
    %slice3A = vector.extract_strided_slice %get3A_1 {offsets = [0, 0], sizes = [64, 8192], strides = [1, 1]} : vector<64x16384xf32> to vector<64x8192xf32>
    %transpose3A = tpu.transpose %slice3A, [1, 0] : vector<64x8192xf32> -> vector<8192x64xf32>
    %slice3A_2 = vector.extract_strided_slice %get3A_1 {offsets = [0, 8192], sizes = [64, 8192], strides = [1, 1]} : vector<64x16384xf32> to vector<64x8192xf32>
    %transpose3A_3 = tpu.transpose %slice3A_2, [1, 0] : vector<64x8192xf32> -> vector<8192x64xf32>
    %concatenate3A = tpu.concatenate %transpose3A, %transpose3A_3 in 1 : vector<8192x64xf32>, vector<8192x64xf32> -> vector<8192x128xf32>
    %swap3A = arith.constant 0 : index
    %swap3A_4 = arith.constant 0 : index
    %swap3A_5 = vector.load %arg2[%swap3A, %swap3A_4] : memref<8192x128xf32, #tpu.memory_space<vmem>>, vector<8192x128xf32>
    tpu.vector_store %arg2[%swap3A, %swap3A_4], %concatenate3A {strides = array<i32>} : memref<8192x128xf32, #tpu.memory_space<vmem>>, vector<8192x128xf32>,
    return
  }
  func.func @transform_0(%arg0: i32) -> (i32, i32) {
    %c0_i32 = arith.constant 0 : i32
    %c0_i32_0 = arith.constant 0 : i32
    return %c0_i32, %arg0 : i32, i32
  }
  func.func @transform_1(%arg0: i32) -> (i32, i32) {
    %c0_i32 = arith.constant 0 : i32
    %c0_i32_0 = arith.constant 0 : i32
    return %arg0, %c0_i32 : i32, i32
  }
}

module attributes {stable_mosaic.version = 14 : i64} {
  func.func @_tc_mask_body(%arg0: memref<4096x200xi32, #tpu.memory_space<vmem>>, %arg1: memref<200x64xf32, #tpu.memory_space<vmem>>, %arg2: memref<4096x64xf32, #tpu.memory_space<vmem>>, %arg3: memref<4096x1xf32, #tpu.memory_space<vmem>>, %arg4: memref<4096x1xf32, #tpu.memory_space<vmem>>) attributes {dimension_semantics = [], scalar_prefetch = 0 : i64, scratch_operands = 0 : i64, tpu.core_type = #tpu.core_type<tc>} {
    %get3A = arith.constant 0 : index
    %get3A_0 = arith.constant 0 : index
    %get3A_1 = vector.load %arg0[%get3A, %get3A_0] : memref<4096x200xi32, #tpu.memory_space<vmem>>, vector<4096x200xi32>
    %ne3A = arith.constant 0 : i32
    %ne3A_2 = vector.broadcast %ne3A : i32 to vector<4096x200xi32>
    %ne3A_3 = arith.cmpi ne, %get3A_1, %ne3A_2 : vector<4096x200xi32>
    %ne3A_4 = arith.constant 1 : i32
    %ne3A_5 = vector.broadcast %ne3A_4 : i32 to vector<4096x200xi32>
    %ne3A_6 = arith.cmpi ne, %get3A_1, %ne3A_5 : vector<4096x200xi32>
    %and3A = arith.andi %ne3A_3, %ne3A_6 : vector<4096x200xi1>
    %convert_element_type3A = arith.extui %and3A : vector<4096x200xi1> to vector<4096x200xi32>
    %convert_element_type3A_7 = arith.sitofp %convert_element_type3A : vector<4096x200xi32> to vector<4096x200xf32>
    %eq3A = arith.constant 1 : i32
    %eq3A_8 = vector.broadcast %eq3A : i32 to vector<4096x200xi32>
    %eq3A_9 = arith.cmpi eq, %get3A_1, %eq3A_8 : vector<4096x200xi32>
    %convert_element_type3A_10 = arith.extui %eq3A_9 : vector<4096x200xi1> to vector<4096x200xi32>
    %convert_element_type3A_11 = arith.sitofp %convert_element_type3A_10 : vector<4096x200xi32> to vector<4096x200xf32>
    %reduce_sum3A = arith.constant dense<0.000000e+00> : vector<4096xf32>
    %reduce_sum3A_12 = vector.multi_reduction <add>, %convert_element_type3A_11, %reduce_sum3A [1] : vector<4096x200xf32> to vector<4096xf32>
    %broadcast_in_dim3A = vector.shape_cast %reduce_sum3A_12 : vector<4096xf32> to vector<4096x1xf32>
    %swap3A = arith.constant 0 : index
    %swap3A_13 = arith.constant 0 : index
    %swap3A_14 = vector.load %arg4[%swap3A, %swap3A_13] : memref<4096x1xf32, #tpu.memory_space<vmem>>, vector<4096x1xf32>
    tpu.vector_store %arg4[%swap3A, %swap3A_13], %broadcast_in_dim3A {strides = array<i32>} : memref<4096x1xf32, #tpu.memory_space<vmem>>, vector<4096x1xf32>,
    %reduce_sum3A_15 = arith.constant dense<0.000000e+00> : vector<4096xf32>
    %reduce_sum3A_16 = vector.multi_reduction <add>, %convert_element_type3A_7, %reduce_sum3A_15 [1] : vector<4096x200xf32> to vector<4096xf32>
    %broadcast_in_dim3A_17 = vector.shape_cast %reduce_sum3A_16 : vector<4096xf32> to vector<4096x1xf32>
    %swap3A_18 = arith.constant 0 : index
    %swap3A_19 = arith.constant 0 : index
    %swap3A_20 = vector.load %arg3[%swap3A_18, %swap3A_19] : memref<4096x1xf32, #tpu.memory_space<vmem>>, vector<4096x1xf32>
    tpu.vector_store %arg3[%swap3A_18, %swap3A_19], %broadcast_in_dim3A_17 {strides = array<i32>} : memref<4096x1xf32, #tpu.memory_space<vmem>>, vector<4096x1xf32>,
    %get3A_21 = arith.constant 0 : index
    %get3A_22 = arith.constant 0 : index
    %get3A_23 = vector.load %arg1[%get3A_21, %get3A_22] : memref<200x64xf32, #tpu.memory_space<vmem>>, vector<200x64xf32>
    %dot_general3A = arith.constant dense<0.000000e+00> : vector<4096x64xf32>
    %dot_general3A_24 = tpu.matmul %convert_element_type3A_7, %get3A_23, %dot_general3A {dimension_numbers = #tpu.dot_dimension_numbers<[1], [0], [0], [1], [0, 0, 1, 1], [], []>, transpose_lhs_hint = false} : vector<4096x200xf32>, vector<200x64xf32>, vector<4096x64xf32> -> vector<4096x64xf32>
    %swap3A_25 = arith.constant 0 : index
    %swap3A_26 = arith.constant 0 : index
    %swap3A_27 = vector.load %arg2[%swap3A_25, %swap3A_26] : memref<4096x64xf32, #tpu.memory_space<vmem>>, vector<4096x64xf32>
    tpu.vector_store %arg2[%swap3A_25, %swap3A_26], %dot_general3A_24 {strides = array<i32>} : memref<4096x64xf32, #tpu.memory_space<vmem>>, vector<4096x64xf32>,
    return
  }
}

module attributes {stable_mosaic.version = 14 : i64} {
  func.func @_tc_head_body(%arg0: memref<4096x64xf32, #tpu.memory_space<vmem>>, %arg1: memref<4096x64xf32, #tpu.memory_space<vmem>>, %arg2: memref<4096x1xf32, #tpu.memory_space<vmem>>, %arg3: memref<4096x1xf32, #tpu.memory_space<vmem>>, %arg4: memref<64x128xf32, #tpu.memory_space<vmem>>, %arg5: memref<1x128xf32, #tpu.memory_space<vmem>>, %arg6: memref<1x64xf32, #tpu.memory_space<vmem>>, %arg7: memref<4096x128xf32, #tpu.memory_space<vmem>>) attributes {dimension_semantics = [], scalar_prefetch = 0 : i64, scratch_operands = 0 : i64, tpu.core_type = #tpu.core_type<tc>} {
    %get3A = arith.constant 0 : index
    %get3A_0 = arith.constant 0 : index
    %get3A_1 = vector.load %arg0[%get3A, %get3A_0] : memref<4096x64xf32, #tpu.memory_space<vmem>>, vector<4096x64xf32>
    %get3A_2 = arith.constant 0 : index
    %get3A_3 = arith.constant 0 : index
    %get3A_4 = vector.load %arg3[%get3A_2, %get3A_3] : memref<4096x1xf32, #tpu.memory_space<vmem>>, vector<4096x1xf32>
    %get3A_5 = arith.constant 0 : index
    %get3A_6 = arith.constant 0 : index
    %get3A_7 = vector.load %arg6[%get3A_5, %get3A_6] : memref<1x64xf32, #tpu.memory_space<vmem>>, vector<1x64xf32>
    %mul3A = vector.broadcast %get3A_4 : vector<4096x1xf32> to vector<4096x64xf32>
    %mul3A_8 = vector.broadcast %get3A_7 : vector<1x64xf32> to vector<4096x64xf32>
    %mul3A_9 = arith.mulf %mul3A, %mul3A_8 : vector<4096x64xf32>
    %sub3A = arith.subf %get3A_1, %mul3A_9 : vector<4096x64xf32>
    %mul3A_10 = arith.constant 8.000000e+00 : f32
    %mul3A_11 = vector.broadcast %mul3A_10 : f32 to vector<4096x64xf32>
    %mul3A_12 = arith.mulf %mul3A_11, %sub3A : vector<4096x64xf32>
    %get3A_13 = arith.constant 0 : index
    %get3A_14 = arith.constant 0 : index
    %get3A_15 = vector.load %arg1[%get3A_13, %get3A_14] : memref<4096x64xf32, #tpu.memory_space<vmem>>, vector<4096x64xf32>
    %add3A = arith.addf %mul3A_12, %get3A_15 : vector<4096x64xf32>
    %get3A_16 = arith.constant 0 : index
    %get3A_17 = arith.constant 0 : index
    %get3A_18 = vector.load %arg2[%get3A_16, %get3A_17] : memref<4096x1xf32, #tpu.memory_space<vmem>>, vector<4096x1xf32>
    %add3A_19 = arith.constant 9.99999997E-7 : f32
    %add3A_20 = vector.broadcast %add3A_19 : f32 to vector<4096x1xf32>
    %add3A_21 = arith.addf %get3A_18, %add3A_20 : vector<4096x1xf32>
    %div3A = vector.broadcast %add3A_21 : vector<4096x1xf32> to vector<4096x64xf32>
    %div3A_22 = arith.divf %add3A, %div3A : vector<4096x64xf32>
    %get3A_23 = arith.constant 0 : index
    %get3A_24 = arith.constant 0 : index
    %get3A_25 = vector.load %arg4[%get3A_23, %get3A_24] : memref<64x128xf32, #tpu.memory_space<vmem>>, vector<64x128xf32>
    %dot_general3A = arith.constant dense<0.000000e+00> : vector<4096x128xf32>
    %dot_general3A_26 = tpu.matmul %div3A_22, %get3A_25, %dot_general3A {dimension_numbers = #tpu.dot_dimension_numbers<[1], [0], [0], [1], [0, 0, 1, 1], [], []>, transpose_lhs_hint = false} : vector<4096x64xf32>, vector<64x128xf32>, vector<4096x128xf32> -> vector<4096x128xf32>
    %get3A_27 = arith.constant 0 : index
    %get3A_28 = arith.constant 0 : index
    %get3A_29 = vector.load %arg5[%get3A_27, %get3A_28] : memref<1x128xf32, #tpu.memory_space<vmem>>, vector<1x128xf32>
    %add3A_30 = vector.broadcast %get3A_29 : vector<1x128xf32> to vector<4096x128xf32>
    %add3A_31 = arith.addf %dot_general3A_26, %add3A_30 : vector<4096x128xf32>
    %swap3A = arith.constant 0 : index
    %swap3A_32 = arith.constant 0 : index
    %swap3A_33 = vector.load %arg7[%swap3A, %swap3A_32] : memref<4096x128xf32, #tpu.memory_space<vmem>>, vector<4096x128xf32>
    tpu.vector_store %arg7[%swap3A, %swap3A_32], %add3A_31 {strides = array<i32>} : memref<4096x128xf32, #tpu.memory_space<vmem>>, vector<4096x128xf32>,
    return
  }
}

</mosaic_0001>

<sc_bundles>
// kernel: kernel.6.cloned.1.call-start
scs
__scs_entry_jumppad:
0x0: {  	(pc) =	sbr.rel $0x88, $3  }
0x1: {  	(tag) =	ssettag $0x0;
	lr =	simm.s32 $0x1  }
0x2: {  	[smem:$0x3F9D] =	sst lr;
	_ =	strace $0xD0000000  }
0x3: {  	_ = 	snop  }
0x4: {  	_ = 	snop  }
0x5: {  	_ = 	snop  }
0x6: {  	_ = 	snop  }
0x7: {  	_ = 	snop  }
__scs_overlays_trampoline_lowered:
0x8: {  	[smem:$0x3FAC] =	sst s0  }
0x9: {  	[smem:$0x3FAD] =	sst s1  }
0xa: {  	[smem:$0x3FAE] =	sst s2  }
0xb: {  	[smem:$0x3FAF] =	sst s3  }
0xc: {  	[smem:$0x3FB0] =	sst s4  }
0xd: {  	[smem:$0x3FB1] =	sst s5  }
0xe: {  	[smem:$0x3FB2] =	sst s6  }
0xf: {  	[smem:$0x3FB3] =	sst s7  }
0x10: {  	[smem:$0x3FB4] =	sst s8  }
0x11: {  	[smem:$0x3FB5] =	sst s9;
	s0 =	simm.s32 @!p0 $0x0  }
0x12: {  	s1 =	sld [smem:$0x3F9B];
	s0 =	simm.s32 @p0 $0x1  }
0x13: {  	[smem:$0x3FB6] =	sst s0;
	s0 =	simm.s32 @!p1 $0x0  }
0x14: {  	s2 =	sld [smem:$0x3F9A];
	s0 =	simm.s32 @p1 $0x1  }
0x15: {  	[smem:$0x3FB7] =	sst s0;
	s0 =	simm.s32 @!p2 $0x0  }
0x16: {  	s3 =	sld [smem:$0x3FDB];
	s0 =	simm.s32 @p2 $0x1  }
0x17: {  	s4 =	simm.s32 $0x1BF5;
	[smem:$0x3FB9] =	sst s0  }
0x18: {  	s0 =	sld [smem:$0x3F9C];
	_ =	swait.ge [sflag:s4], $0x0  }
0x19: {  	s7 =	sld [smem:$0x3F9D]  }
0x1a: {  	s8 =	sadd.s32 $0xFFFFE003, lr  }
0x1b: {  	s9 =	sadd.s32 $0xFFFFFEF7, lr;
	s5 =	simm.s32 $0xFFFFFFFF;
	p2 =	slt.u32 s8, $0xFFFFF086  }
0x1c: {  	p1 =	slt.u32 s9, $0xF7A;
	s5 =	simm.s32 @!p2 $0x0  }
0x1d: {  	s5 =	simm.s32 @p1 $0x1;
	p0 =	seq.s32 s7, s2  }
0x1e: {  	s7 =	smul.u32 @!p0 $0xF7A, s2;
	p2 =	seq.s32 @!p0 s5, $0x0  }
0x1f: {  	s9 =	smul.u32 $0xF7A, s1;
	s8 =	simm.s32 @!p0 $0x1BF5;
	p2 =	por !p2, p0  }
0x20: {  	[sflag:s8] =	ssyncset.s32 @!p0 $0xFFFFF086;
	s6 =	sadd.s32 @!p0 s3, s7;
	s7 =	simm.s32 @!p0 $0x108  }
0x21: {  	s3 =	sadd.s32 s3, s9;
	s6 =	sadd.s32 @!p0 $0x88, s6;
	s7 =	simm.s32 @p2 $0x1082  }
0x22: {  	[simem:s7], [sflag:s8] =	dma.local @!p0 [hbm:s6], $0xF7A  }
0x23: {  	s9 =	sor.u32 $0xD0000000, s2;
	s6 =	simm.s32 $0x108;
	_ =	swait.ge @!p0 [sflag:s8], $0x0  }
0x24: {  	s3 =	sadd.s32 $0x88, s3;
	s6 =	simm.s32 @!p1 $0x1082;
	[sflag:s4] =	ssyncset.s32 $0xFFFFF086  }
0x25: {  	[simem:s6], [sflag:s4] =	dma.local [hbm:s3], $0xF7A  }
0x26: {  	[smem:$0x3F9D] =	sst s1;
	(tag) =	ssettag s2;
	_ =	strace s9  }
0x27: {  	s1 =	sld [smem:$0x3FAD]  }
0x28: {  	s2 =	sld [smem:$0x3FAE]  }
0x29: {  	s4 =	sld [smem:$0x3FB0]  }
0x2a: {  	p0 =	seq.s32 s5, $0x0;
	s5 =	sld [smem:$0x3FB1]  }
0x2b: {  	s6 =	sld [smem:$0x3FB2]  }
0x2c: {  	s7 =	sld [smem:$0x3FB3]  }
0x2d: {  	s3 =	simm.s32 $0x108;
	s8 =	sld [smem:$0x3FB4]  }
0x2e: {  	s3 =	simm.s32 @!p0 $0x1082;
	s9 =	sld [smem:$0x3FB5]  }
0x2f: {  	lr =	sadd.s32 s0, s3;
	s0 =	sld [smem:$0x3FAC]  }
0x30: {  	s3 =	sld [smem:$0x3FAF]  }
0x31: {  	[smem:$0x3FB8] =	sst s10  }
0x32: {  	s10 =	sld [smem:$0x3FB6];
	_ =	sdelay $0x3  }
0x33: {  	p0 =	seq.s32 s10, $0x1;
	s10 =	sld [smem:$0x3FB8];
	_ =	sdelay $0x3  }
0x34: {  	[smem:$0x3FB8] =	sst s10  }
0x35: {  	s10 =	sld [smem:$0x3FB7];
	_ =	sdelay $0x3  }
0x36: {  	p1 =	seq.s32 s10, $0x1;
	s10 =	sld [smem:$0x3FB8];
	_ =	sdelay $0x3  }
0x37: {  	[smem:$0x3FB8] =	sst s10  }
0x38: {  	s10 =	sld [smem:$0x3FB9]  }
0x39: {  	_ = 	snop;
	(pc) =	sbr.ind lr, $3  }
0x3a: {  	_ = 	snop  }
0x3b: {  	_ = 	snop  }
0x3c: {  	p2 =	seq.s32 s10, $0x1;
	s10 =	sld [smem:$0x3FB8]  }
0x3d: {  	_ =	shalt  }
0x3e: {  	_ =	shalt  }
0x3f: {  	_ =	shalt  }
0x40: {  	_ =	shalt  }
0x41: {  	_ =	shalt  }
0x42: {  	_ =	shalt  }
0x43: {  	_ =	shalt  }
0x44: {  	_ =	shalt  }
0x45: {  	_ =	shalt  }
0x46: {  	_ =	shalt  }
0x47: {  	_ =	shalt  }
0x48: {  	_ =	shalt  }
0x49: {  	_ =	shalt  }
0x4a: {  	_ =	shalt  }
0x4b: {  	_ =	shalt  }
0x4c: {  	_ =	shalt  }
0x4d: {  	_ =	shalt  }
0x4e: {  	_ =	shalt  }
0x4f: {  	_ =	shalt  }
0x50: {  	_ =	shalt  }
0x51: {  	_ =	shalt  }
0x52: {  	_ =	shalt  }
0x53: {  	_ =	shalt  }
0x54: {  	_ =	shalt  }
0x55: {  	_ =	shalt  }
0x56: {  	_ =	shalt  }
0x57: {  	_ =	shalt  }
0x58: {  	_ =	shalt  }
0x59: {  	_ =	shalt  }
0x5a: {  	_ =	shalt  }
0x5b: {  	_ =	shalt  }
0x5c: {  	_ =	shalt  }
0x5d: {  	_ =	shalt  }
0x5e: {  	_ =	shalt  }
0x5f: {  	_ =	shalt  }
0x60: {  	_ =	shalt  }
0x61: {  	_ =	shalt  }
0x62: {  	_ =	shalt  }
0x63: {  	_ =	shalt  }
0x64: {  	_ =	shalt  }
0x65: {  	_ =	shalt  }
0x66: {  	_ =	shalt  }
0x67: {  	_ =	shalt  }
0x68: {  	_ =	shalt  }
0x69: {  	_ =	shalt  }
0x6a: {  	_ =	shalt  }
0x6b: {  	_ =	shalt  }
0x6c: {  	_ =	shalt  }
0x6d: {  	_ =	shalt  }
0x6e: {  	_ =	shalt  }
0x6f: {  	_ =	shalt  }
0x70: {  	_ =	shalt  }
0x71: {  	_ =	shalt  }
0x72: {  	_ =	shalt  }
0x73: {  	_ =	shalt  }
0x74: {  	_ =	shalt  }
0x75: {  	_ =	shalt  }
0x76: {  	_ =	shalt  }
0x77: {  	_ =	shalt  }
0x78: {  	_ =	shalt  }
0x79: {  	_ =	shalt  }
0x7a: {  	_ =	shalt  }
0x7b: {  	_ =	shalt  }
0x7c: {  	_ =	shalt  }
0x7d: {  	_ =	shalt  }
0x7e: {  	_ =	shalt  }
0x7f: {  	_ =	shalt  }
0x80: {  	_ =	shalt  }
0x81: {  	_ =	shalt  }
0x82: {  	_ =	shalt  }
0x83: {  	_ =	shalt  }
0x84: {  	_ =	shalt  }
0x85: {  	_ =	shalt  }
0x86: {  	_ =	shalt  }
0x87: {  	_ =	shalt  }
.Lfunc_end0:
.L_simem_size_0:
called_computation_lowered:
.L_overlay_start_0:
0x88: {  	s2 =	sld [smem:$0x3FD9]  }
0x89: {  	s3 =	sld [smem:$0x3FFE];
	_ =	sdelay $0x1  }
0x8a: {  	s1 =	srdreg.scid  }
0x8b: {  	s0 =	sand.u32 $0x1, s1  }
0x8c: {  	s17 =	sshll.u32 s0, $0xA;
	s2 =	sadd.s32 s3, s2  }
0x8d: {  	s2 =	sadd.s32 s2, s17  }
0x8e: {  	[smem:$0x3FC4] =	sst s2  }
0x8f: {  	_ = 	snop  }
0x90: {  	s2 =	sld [smem:$0x3FD0];
	(tm) =	ssettm $0x1  }
0x91: {  	s18 =	sld [smem:$0x3FFB];
	_ =	sdelay $0x3  }
0x92: {  	_ =	strace s18  }
0x93: {  	s3 =	sld [smem:$0x3FFC];
	_ =	sdelay $0x3  }
0x94: {  	_ =	strace s3  }
0x95: {  	s3 =	sld [smem:$0x3FFD];
	_ =	sdelay $0x3  }
0x96: {  	_ =	strace s3  }
0x97: {  	_ =	strace $0x8FFFFFFF  }
0x98: {  	s19 =	sld [smem:$0x3FDB];
	_ =	sdelay $0x1  }
0x99: {  	s4 =	simm.s32 $_scs_section_size  }
0x9a: {  	s5 =	simm.s32 $_size__tile_overlayer_lowered;
	s6 =	simm.s32 $_tile_overlayer_lowered  }
0x9b: {  	s22 =	simm.s32 $0x1BFF;
	s21 =	sshll.u32 s6, $0x1;
	s3 =	sadd.s32 s4, s19  }
0x9c: {  	s7 =	simm.s32 $0x0;
	s20 =	sshll.u32 s5, $0x1;
	s5 =	sadd.s32 s21, s3  }
0x9d: {  	[timem:s7], [sflag:s22] =	dma.local [hbm:s5], s20  }
0x9e: {  	_ =	swait.ge [sflag:s22], s20  }
0x9f: {  	s4 =	ssub.s32 $0x0, s20;
	[sflag:s22] =	ssyncset.done $0x0  }
0xa0: {  	[sflag:s22] =	ssyncadd.s32 s4;
	_ =	sdelay $0x1  }
0xa1: {  	s23 =	simm.s32 $0x1B8B  }
0xa2: {  	_ =	swait.ge [sflag:s23], $0x1  }
0xa3: {  	[sflag:s23] =	ssyncset.done $0x0  }
0xa4: {  	s25 =	simm.s32 $0x1B8E;
	s24 =	sld [smem:$0x3FFE];
	[sflag:s23] =	ssyncadd.s32 $0xFFFFFFFF  }
0xa5: {  	s26 =	simm.s32 $execute0_lowered;
	[smem:$0x3FD2] =	sst s25  }
0xa6: {  	s5 =	sshll.u32 s26, $0x1;
	_ =	strace $0x80000046;
	[dreg:$0x1] =	wrdreg $0xFFFFFFFF  }
0xa7: {  	s28 =	simm.s32 $_size_execute0_lowered;
	s3 =	sadd.s32 s3, s5;
	[dreg:$0x0] =	wrdreg $0x0  }
0xa8: {  	s5 =	sshll.u32 s28, $0x1;
	[dreg:$0x2] =	wrdreg s3  }
0xa9: {  	[dreg:$0x3] =	wrdreg s5  }
0xaa: {  	[dreg:$0x4] =	wrdreg $0xC0  }
0xab: {  	_ =	task [dreg:s7], $0x5FFFF  }
0xac: {  	[dreg:$0x1] =	wrdreg $0xFFFFFFFF  }
0xad: {  	[dreg:$0x0] =	wrdreg $0x60  }
0xae: {  	[dreg:$0x2] =	wrdreg s24  }
0xaf: {  	[dreg:$0x3] =	wrdreg s2  }
0xb0: {  	[dreg:$0x4] =	wrdreg $0x9  }
0xb1: {  	_ =	task.clear_ibuf [dreg:s7], $0x5FFFF;
	_ =	strace $0x90000046  }
0xb2: {  	s29 =	simm.s32 $0x9;
	_ =	strace $0x80000048  }
0xb3: {  	_ =	swait.ge [sflag:s29], $0x1  }
0xb4: {  	[sflag:s29] =	ssyncadd.s32 $0xFFFFFFFF  }
0xb5: {  	_ =	strace $0x90000048  }
0xb6: {  	_ =	sfence  }
0xb7: {  	s30 =	sld [smem:$0x0];
	_ =	sdelay $0x2  }
0xb8: {  	s31 =	sshll.u32 s1, $0xD;
	s1 =	sshrl.u32 s1, $0x2  }
0xb9: {  	s3 =	sand.u32 $0x4000, s31;
	s1 =	sadd.s32 s1, s30  }
0xba: {  	s0 =	sor.u32 s3, s0;
	s1 =	sshll.u32 s1, $0x11  }
0xbb: {  	s0 =	sor.u32 s1, s0  }
0xbc: {  	s0 =	sadd.s32 $0x8F2B, s0  }
0xbd: {  	[sflag:s0] =	ssyncadd.remote.s32 $0x1  }
0xbe: {  	_ =	sfence.sel $0xFFFF  }
0xbf: {  	[dreg:$0x0] =	wrdreg $0xFFFFFFFF;
	(pc) =	sbr.abs _section_cstart, $3  }
0xc0: {  	[dreg:$0x1] =	wrdreg $0xFFFFFFFF  }
0xc1: {  	_ =	task.clear_ibuf [dreg:s7], $0x2FFFF;
	_ =	strace $0x9FFFFFFF  }
0xc2: {  	(tm) =	ssettm $0x7FFFFFFF  }
0xc3: {  	_ =	shalt  }
tec
execute0_lowered:
.L_overlay_start_1:
0x0: {  	(tag) =	ssettag $0x1  }
0x1: {  	s4 =	rddreg [dreg:$0x0]  }
0x2: {  	s5 =	rddreg [dreg:$0x1]  }
0x3: {  	s0 =	rddreg [dreg:$0x2];
	s2 =	simm.s32 $0x0;
	s3 =	srdreg.scid  }
0x4: {  	s1 =	stileid.u32;
	s9 =	simm.s32 $0x8000;
	s10 =	simm.s32 $0x48  }
0x5: {  	s11 =	simm.s32 $0xA000;
	s12 =	simm.s32 $0xB200;
	s13 =	simm.s32 $0xD200  }
0x6: {  	s14 =	simm.s32 $0x1;
	s15 =	simm.s32 $0x2;
	s16 =	simm.s32 $0xE400  }
0x7: {  	s17 =	simm.s32 $0x0;
	s6 =	sand.u32 $0x1, s3;
	s30 =	sshll.u32 s1, $0x1  }
0x8: {  	[smem:$0x7FF] =	sst s2;
	s3 =	sadd.s32 $0xE00, s4;
	s7 =	sor.u32 s6, s30  }
0x9: {  	_ =	strace $0x80000047;
	s6 =	ssub.s32 $0x2, s6;
	s8 =	sshll.u32 s7, $0xC  }
0xa: {  	s31 =	sshrl.u32 s6, $0x1;
	s7 =	sshll.u32 s7, $0xA;
	s4 =	sadd.s32 s8, s4  }
0xb: {  	s6 =	ssub.s32 s6, s31;
	s5 =	sadd.s32 s5, s7;
	s7 =	simm.s32 $0x3  }
0xc: {  	s8 =	simm.s32 $0x80;
	s4 =	sadd.s32 $0xE0E00, s4;
	s6 =	smax.u32 s6, $0x1  }
.LBB2_1:
0xd: {  	[tilespmem:s2], [sflag:$0x3] =	stream.linear.gather [hbm4b:s4+s2], $0x8000, $0x38;
	[tilespmem:$0x10400] =	vst v63  }
0xe: {  	_ =	swait.ge [sflag:s7], $0x8000  }
0xf: {  	[sflag:s7] =	ssyncset.done $0x0  }
0x10: {  	[sflag:s7] =	ssyncadd.s32 $0xFFFF8000  }
0x11: {  	[tilespmem:s9], [sflag:$0x1] =	stream.indirect.gather [hbm4b:s3+s8], $0x40, s2, s8, $0xb8;
	[tilespmem:$0x10400] =	vst v63  }
0x12: {  	s18 =	simm.s32 $0x0  }
0x13: {  	[tilespmem:s11], [sflag:$0x1] =	stream.indirect.gather [hbm4b:s3+s10], $0x40, s8, s10, $0xb8;
	[tilespmem:$0x10400] =	vst v63  }
.LBB2_2:
0x14: {  	s19 =	sshllo.u32 s18, $0x1  }
0x15: {  	s20 =	sshll.u32 s19, $0x8  }
0x16: {  	s20 =	sand.u32 $0x3FFFFF00, s20  }
0x17: {  	[tilespmem:s12], [sflag:$0x2] =	stream.indirect.gather [hbm4b:s3+s8], $0x40, s20, s8, $0xb8;
	[tilespmem:$0x10400] =	vst v63  }
0x18: {  	s20 =	sor.u32 $0x80, s20  }
0x19: {  	[tilespmem:s13], [sflag:$0x2] =	stream.indirect.gather [hbm4b:s3+s10], $0x40, s20, s10, $0xb8;
	[tilespmem:$0x10400] =	vst v63  }
0x1a: {  	_ =	swait.ge [sflag:s14], $0x2000  }
0x1b: {  	[sflag:s14] =	ssyncset.done $0x0  }
0x1c: {  	[sflag:s14] =	ssyncadd.s32 $0xFFFFE000  }
0x1d: {  	_ =	swait.ge [sflag:s14], $0x1200  }
0x1e: {  	[sflag:s14] =	ssyncset.done $0x0  }
0x1f: {  	s20 =	simm.s32 $0x0;
	[sflag:s14] =	ssyncadd.s32 $0xFFFFEE00  }
0x20: {  	v2 =	vld [tilespmem:s20+$0x8080]  }
0x21: {  	v4 =	vld [tilespmem:s20+$0x8090]  }
0x22: {  	v3 =	vld [tilespmem:s20+$0x80A0]  }
0x23: {  	v5 =	vld [tilespmem:s20+$0x80B0]  }
0x24: {  	v0 =	vld [tilespmem:s20+$0x80C0]  }
0x25: {  	v1 =	vld [tilespmem:s20+$0x80D0]  }
0x26: {  	v18 =	vld [tilespmem:s20+$0x8000]  }
0x27: {  	v20 =	vld [tilespmem:s20+$0x8010]  }
0x28: {  	v17 =	vld [tilespmem:s20+$0x8020]  }
0x29: {  	v19 =	vld [tilespmem:s20+$0x8030]  }
0x2a: {  	v10 =	vimm.f32 $0.0e+00;
	v11 =	vimm.f32 $0.0e+00;
	v14 =	vld [tilespmem:s20+$0x8040]  }
0x2b: {  	v12 =	vimm.f32 $0.0e+00;
	v13 =	vimm.f32 $0.0e+00;
	v6 =	vimm.f32 $0.0e+00;
	v15 =	vld [tilespmem:s20+$0x8050]  }
0x2c: {  	s21 =	simm.s32 $0x400;
	v8 =	vimm.f32 $0.0e+00;
	v9 =	vimm.f32 $0.0e+00;
	v7 =	vimm.f32 $0.0e+00;
	v16 =	vld [tilespmem:s20+$0x8060]  }
.LBB2_3:
0x2d: {  	p0 =	sne.s32 s21, $0xC400;
	v10 =	vadd.f32 v18, v10;
	v11 =	vadd.f32 v20, v11;
	v18 =	vld [tilespmem:s20+$0x8070]  }
0x2e: {  	v12 =	vadd.f32 v17, v12;
	v13 =	vadd.f32 v19, v13;
	v17 =	vld [tilespmem:s20+$0x80E0]  }
0x2f: {  	v10 =	vadd.f32 v2, v10;
	v11 =	vadd.f32 v4, v11;
	v19 =	vld [tilespmem:s20+$0x80F0];
	s20 =	sshra.s32 s21, $0x2  }
0x30: {  	v12 =	vadd.f32 v3, v12;
	v2 =	vld [tilespmem:s20+$0x8080];
	v13 =	vadd.f32 v5, v13  }
0x31: {  	v6 =	vadd.f32 v14, v6;
	v8 =	vadd.f32 v15, v8;
	v4 =	vld [tilespmem:s20+$0x8090]  }
0x32: {  	v9 =	vadd.f32 v16, v9;
	v3 =	vld [tilespmem:s20+$0x80A0];
	v7 =	vadd.f32 v18, v7  }
0x33: {  	v6 =	vadd.f32 v0, v6;
	v8 =	vadd.f32 v1, v8;
	v5 =	vld [tilespmem:s20+$0x80B0]  }
0x34: {  	v9 =	vadd.f32 v17, v9;
	v0 =	vld [tilespmem:s20+$0x80C0];
	v7 =	vadd.f32 v19, v7  }
0x35: {  	v1 =	vld [tilespmem:s20+$0x80D0]  }
0x36: {  	v18 =	vld [tilespmem:s20+$0x8000]  }
0x37: {  	v20 =	vld [tilespmem:s20+$0x8010]  }
.Ltmp0:
0x38: {  	v17 =	vld [tilespmem:s20+$0x8020];
	(pc) =	sbr.rel @p0 .LBB2_3-.Ltmp0, $4  }
0x39: {  	v19 =	vld [tilespmem:s20+$0x8030]  }
0x3a: {  	v14 =	vld [tilespmem:s20+$0x8040]  }
0x3b: {  	v15 =	vld [tilespmem:s20+$0x8050]  }
0x3c: {  	s21 =	sadd.s32 $0x400, s21;
	v16 =	vld [tilespmem:s20+$0x8060]  }
0x3d: {  	v10 =	vadd.f32 v18, v10;
	v11 =	vadd.f32 v20, v11  }
0x3e: {  	v18 =	vld [tilespmem:s20+$0x8070];
	v12 =	vadd.f32 v17, v12;
	v13 =	vadd.f32 v19, v13  }
0x3f: {  	v17 =	vld [tilespmem:s20+$0x80E0];
	v2 =	vadd.f32 v2, v10;
	v4 =	vadd.f32 v4, v11  }
0x40: {  	v10 =	vld [tilespmem:s20+$0x80F0];
	v3 =	vadd.f32 v3, v12;
	v6 =	vadd.f32 v14, v6  }
0x41: {  	v5 =	vadd.f32 v5, v13;
	v8 =	vadd.f32 v15, v8  }
0x42: {  	v9 =	vadd.f32 v16, v9;
	v0 =	vadd.f32 v0, v6  }
0x43: {  	v6 =	vadd.f32 v18, v7;
	v1 =	vadd.f32 v1, v8  }
0x44: {  	s31 =	sshll.u32 s18, $0x7;
	v7 =	vadd.f32 v17, v9;
	v0 =	vadd.f32 v0, v2  }
0x45: {  	s20 =	sand.u32 $0x3FFFFF80, s31;
	v2 =	vadd.f32 v10, v6;
	v1 =	vadd.f32 v1, v4  }
0x46: {  	p0 =	seq.s32 s18, $0x3F;
	[tilespmem:s20+$0xE400] =	vst v0;
	v0 =	vadd.f32 v7, v3  }
0x47: {  	s21 =	sshll.u32 @!p0 s18, $0x9;
	[tilespmem:s20+$0xE410] =	vst v1;
	v1 =	vadd.f32 v2, v5  }
0x48: {  	s21 =	sand.u32 @!p0 $0x3FFFFE00, s21;
	[tilespmem:s20+$0xE420] =	vst v0  }
0x49: {  	s22 =	simm.s32 @!p0 $0x80;
	s23 =	simm.s32 @!p0 $0x8000;
	[tilespmem:s20+$0xE430] =	vst v1;
	s20 =	sadd.s32 @!p0 $0x200, s21  }
0x4a: {  	[tilespmem:s23], [sflag:$0x1] =	stream.indirect.gather @!p0 [hbm4b:s3+s22], $0x40, s20, s22, $0xb8;
	[tilespmem:$0x10400] =	vst v63  }
0x4b: {  	s20 =	sadd.s32 @!p0 $0x280, s21;
	s21 =	simm.s32 @!p0 $0x48;
	s22 =	simm.s32 @!p0 $0xA000  }
0x4c: {  	[tilespmem:s22], [sflag:$0x1] =	stream.indirect.gather @!p0 [hbm4b:s3+s21], $0x40, s20, s21, $0xb8;
	[tilespmem:$0x10400] =	vst v63  }
0x4d: {  	_ =	swait.ge [sflag:s15], $0x2000  }
0x4e: {  	[sflag:s15] =	ssyncset.done $0x0  }
0x4f: {  	[sflag:s15] =	ssyncadd.s32 $0xFFFFE000  }
0x50: {  	_ =	swait.ge [sflag:s15], $0x1200  }
0x51: {  	[sflag:s15] =	ssyncset.done $0x0  }
0x52: {  	s20 =	simm.s32 $0x0;
	[sflag:s15] =	ssyncadd.s32 $0xFFFFEE00  }
0x53: {  	v2 =	vld [tilespmem:s20+$0xB280]  }
0x54: {  	v4 =	vld [tilespmem:s20+$0xB290]  }
0x55: {  	v3 =	vld [tilespmem:s20+$0xB2A0]  }
0x56: {  	v5 =	vld [tilespmem:s20+$0xB2B0]  }
0x57: {  	v0 =	vld [tilespmem:s20+$0xB2C0]  }
0x58: {  	v1 =	vld [tilespmem:s20+$0xB2D0]  }
0x59: {  	v18 =	vld [tilespmem:s20+$0xB200]  }
0x5a: {  	v20 =	vld [tilespmem:s20+$0xB210]  }
0x5b: {  	v17 =	vld [tilespmem:s20+$0xB220]  }
0x5c: {  	v19 =	vld [tilespmem:s20+$0xB230]  }
0x5d: {  	v11 =	vimm.f32 $0.0e+00;
	v12 =	vimm.f32 $0.0e+00;
	v14 =	vld [tilespmem:s20+$0xB240]  }
0x5e: {  	v13 =	vimm.f32 $0.0e+00;
	v8 =	vimm.f32 $0.0e+00;
	v9 =	vimm.f32 $0.0e+00;
	v15 =	vld [tilespmem:s20+$0xB250]  }
0x5f: {  	v10 =	vimm.f32 $0.0e+00;
	v6 =	vimm.f32 $0.0e+00;
	v7 =	vimm.f32 $0.0e+00;
	s21 =	simm.s32 $0x400;
	v16 =	vld [tilespmem:s20+$0xB260]  }
.LBB2_5:
0x60: {  	p0 =	sne.s32 s21, $0xC400;
	v10 =	vadd.f32 v18, v10;
	v11 =	vadd.f32 v20, v11;
	v18 =	vld [tilespmem:s20+$0xB270]  }
0x61: {  	v12 =	vadd.f32 v17, v12;
	v13 =	vadd.f32 v19, v13;
	v17 =	vld [tilespmem:s20+$0xB2E0]  }
0x62: {  	v10 =	vadd.f32 v2, v10;
	v11 =	vadd.f32 v4, v11;
	v19 =	vld [tilespmem:s20+$0xB2F0];
	s20 =	sshra.s32 s21, $0x2  }
0x63: {  	v12 =	vadd.f32 v3, v12;
	v2 =	vld [tilespmem:s20+$0xB280];
	v13 =	vadd.f32 v5, v13  }
0x64: {  	v6 =	vadd.f32 v14, v6;
	v8 =	vadd.f32 v15, v8;
	v4 =	vld [tilespmem:s20+$0xB290]  }
0x65: {  	v9 =	vadd.f32 v16, v9;
	v3 =	vld [tilespmem:s20+$0xB2A0];
	v7 =	vadd.f32 v18, v7  }
0x66: {  	v6 =	vadd.f32 v0, v6;
	v8 =	vadd.f32 v1, v8;
	v5 =	vld [tilespmem:s20+$0xB2B0]  }
0x67: {  	v9 =	vadd.f32 v17, v9;
	v0 =	vld [tilespmem:s20+$0xB2C0];
	v7 =	vadd.f32 v19, v7  }
0x68: {  	v1 =	vld [tilespmem:s20+$0xB2D0]  }
0x69: {  	v18 =	vld [tilespmem:s20+$0xB200]  }
0x6a: {  	v20 =	vld [tilespmem:s20+$0xB210]  }
.Ltmp1:
0x6b: {  	v17 =	vld [tilespmem:s20+$0xB220];
	(pc) =	sbr.rel @p0 .LBB2_5-.Ltmp1, $4  }
0x6c: {  	v19 =	vld [tilespmem:s20+$0xB230]  }
0x6d: {  	v14 =	vld [tilespmem:s20+$0xB240]  }
0x6e: {  	v15 =	vld [tilespmem:s20+$0xB250]  }
0x6f: {  	s21 =	sadd.s32 $0x400, s21;
	v16 =	vld [tilespmem:s20+$0xB260]  }
0x70: {  	v10 =	vadd.f32 v18, v10;
	v11 =	vadd.f32 v20, v11  }
0x71: {  	v56 =	vld [tilespmem:s20+$0xB270];
	v12 =	vadd.f32 v17, v12;
	v13 =	vadd.f32 v19, v13  }
0x72: {  	v57 =	vld [tilespmem:s20+$0xB2E0];
	v2 =	vadd.f32 v2, v10;
	v4 =	vadd.f32 v4, v11  }
0x73: {  	v58 =	vld [tilespmem:s20+$0xB2F0];
	v3 =	vadd.f32 v3, v12;
	v6 =	vadd.f32 v14, v6  }
0x74: {  	v5 =	vadd.f32 v5, v13;
	v8 =	vadd.f32 v15, v8  }
0x75: {  	v9 =	vadd.f32 v16, v9;
	v0 =	vadd.f32 v0, v6  }
0x76: {  	s18 =	sadd.s32 $0x1, s18;
	v59 =	vadd.f32 v56, v7;
	v1 =	vadd.f32 v1, v8  }
0x77: {  	s19 =	sshll.u32 s19, $0x6;
	p0 =	sne.s32 s18, $0x40;
	v60 =	vadd.f32 v57, v9;
	v0 =	vadd.f32 v0, v2  }
.Ltmp2:
0x78: {  	s19 =	sand.u32 $0x3FFFFFC0, s19;
	v61 =	vadd.f32 v58, v59;
	v1 =	vadd.f32 v1, v4;
	(pc) =	sbr.rel @p0 .LBB2_2-.Ltmp2, $4  }
0x79: {  	[tilespmem:s19+$0xE400] =	vst v0;
	v62 =	vadd.f32 v60, v3  }
0x7a: {  	[tilespmem:s19+$0xE410] =	vst v1;
	v63 =	vadd.f32 v61, v5  }
0x7b: {  	[tilespmem:s19+$0xE420] =	vst v62  }
0x7c: {  	[tilespmem:s19+$0xE430] =	vst v63  }
0x7d: {  	s17 =	sadd.s32 $0x1, s17  }
0x7e: {  	p0 =	sne.s32 s17, s6  }
.Ltmp3:
0x7f: {  	_ = 	snop;
	(pc) =	sbr.rel @p0 .LBB2_1-.Ltmp3, $4  }
0x80: {  	[hbm4b:s5+s2] =	stream.linear.scatter [tilespmem:s16], [sflag:$0x3], $0x2000, $0x38;
	[tilespmem:$0x10400] =	vst v63  }
0x81: {  	_ =	swait.ge [sflag:s7], $0x2000  }
0x82: {  	[sflag:s7] =	ssyncset.done $0x0  }
0x83: {  	[sflag:s7] =	ssyncadd.s32 $0xFFFFE000  }
0x84: {  	_ =	sfence.sel $0x180000  }
0x85: {  	[bflag:$0x0] =	sbarrier.arrive $0xFFFF  }
0x86: {  	p0 =	sne.s32 s1, $0x0;
	_ =	strace $0x90000047  }
0x87: {  	s0 =	sadd.s32 @!p0 $0x100000, s0;
	[bflag:$0x2] =	sbarrier.arrive $0xFFFF  }
0x88: {  	[sflag:s0] =	ssyncadd.tile.s32 @!p0 $0x1;
	_ =	shalt  }
.Lfunc_end2:
_tile_overlayer_lowered:
.L_overlay_start_2:
0x89: {  	(tag) =	ssettag $0x2  }
0x8a: {  	s0 =	rddreg [dreg:$0x0];
	s2 =	stileid.u32  }
0x8b: {  	s1 =	rddreg [dreg:$0x1];
	p0 =	sne.s32 s2, $0x0  }
0x8c: {  	s3 =	rddreg [dreg:$0x2];
	[bflag:$0x3] =	sbarrier.arrive $0xFFFF;
	s2 =	simm.s32 @!p0 $0x1C03  }
0x8d: {  	[timem:s3], [sflag:s2] =	dma.local @!p0 [hbm:s0], s1  }
0x8e: {  	s0 =	simm.s32 @!p0 $0x3  }
0x8f: {  	_ =	swait.ge @!p0 [sflag:s0], s1  }
0x90: {  	s1 =	ssub.s32 @!p0 $0x0, s1;
	[sflag:s0] =	ssyncset.done @!p0 $0x0  }
0x91: {  	[sflag:s0] =	ssyncadd.s32 @!p0 s1  }
0x92: {  	[bflag:$0x3] =	sbarrier.arrive $0xFFFF  }
0x93: {  	_ =	shalt  }

</sc_bundles>
